<compile_context>
chip_gen: v7x
topology: tpu7x:2x2x1
jax: 0.10.2.dev20260603
libtpu: 0.0.44.dev20260713+nightly
codegen_flags: <defaults>
</compile_context>

<pallas_src>
import functools

import jax
import jax.numpy as jnp
from jax import lax
from jax.experimental import pallas as pl
from jax.experimental.pallas import tpu as pltpu
from jax.experimental.pallas import tpu_sc as plsc

BATCH = 4096
HIST = 200
DIM = 128
BN_EPS = 1e-3
LANES = 16
NVREG = DIM // LANES

_INFO = plsc.get_sparse_core_info()
NC = _INFO.num_cores
NS = _INFO.num_subcores
NW = NC * NS
B_PER_W = BATCH // NW
CHUNKS = (104, 96)


def _sc_body(idx_hbm, table_hbm, out_hbm, idx_v, rows_v, out_v, sem):
    wid = lax.axis_index("s") * NC + lax.axis_index("c")
    base = wid * B_PER_W

    pltpu.sync_copy(idx_hbm.at[pl.ds(base * HIST, B_PER_W * HIST)], idx_v)

    def issue(b, par):
        off = 0
        for n in CHUNKS:
            pltpu.async_copy(
                table_hbm.at[idx_v.at[pl.ds(b * HIST + off, n)]],
                rows_v.at[par, pl.ds(off, n)],
                sem,
            )
            off += n

    def drain(par):
        pltpu.make_async_copy(
            table_hbm.at[pl.ds(0, HIST)], rows_v.at[par], sem
        ).wait()

    def row_sum(b, par):
        def body(l, acc):
            return tuple(
                acc[j] + rows_v[par, l, pl.ds(j * LANES, LANES)]
                for j in range(NVREG)
            )

        acc = lax.fori_loop(
            0,
            HIST,
            body,
            tuple(jnp.zeros((LANES,), jnp.float32) for _ in range(NVREG)),
        )
        for j in range(NVREG):
            out_v[b, pl.ds(j * LANES, LANES)] = acc[j]

    NBUF = 3
    for p in range(NBUF):
        issue(p, p)

    def step(b, par):
        drain(par)
        row_sum(b, par)

        @pl.when(b + NBUF < B_PER_W)
        def _():
            issue(b + NBUF, par)

    def loop_body(i, carry):
        for par in range(NBUF):
            step(NBUF * i + par, par)
        return carry

    lax.fori_loop(0, B_PER_W // NBUF, loop_body, 0)
    for b in range(B_PER_W - B_PER_W % NBUF, B_PER_W):
        step(b, b % NBUF)

    pltpu.sync_copy(out_v, out_hbm.at[pl.ds(base, B_PER_W)])


@functools.partial(
    pl.kernel,
    mesh=plsc.VectorSubcoreMesh(core_axis_name="c", subcore_axis_name="s"),
    out_type=jax.ShapeDtypeStruct((BATCH, DIM), jnp.float32),
    scratch_types=[
        pltpu.VMEM((B_PER_W * HIST,), jnp.int32),
        pltpu.VMEM((3, HIST, DIM), jnp.float32),
        pltpu.VMEM((B_PER_W, DIM), jnp.float32),
        pltpu.SemaphoreType.DMA,
    ],
)
def _sc_pool(idx_hbm, table_hbm, out_hbm, idx_v, rows_v, out_v, sem):
    _sc_body(idx_hbm, table_hbm, out_hbm, idx_v, rows_v, out_v, sem)


BB = 512


def _tc_body(ps_ref, w_ref, b_ref, g_ref, be_ref, mm_ref, mv_ref, o_ref):
    pooled = ps_ref[...] * (1.0 / HIST)
    dense = (
        jnp.dot(pooled, w_ref[...], preferred_element_type=jnp.float32)
        + b_ref[...]
    )
    inv = g_ref[...] / jnp.sqrt(mv_ref[...] + BN_EPS)
    normed = (dense - mm_ref[...]) * inv + be_ref[...]
    nrm = jnp.sqrt(jnp.sum(normed * normed, axis=1, keepdims=True))
    o_ref[...] = normed / nrm


def _tc_finish(pooled_sum, W, *params):
    vspec = pl.BlockSpec((1, DIM), lambda i: (0, 0))
    return pl.pallas_call(
        _tc_body,
        grid=(BATCH // BB,),
        in_specs=[
            pl.BlockSpec((BB, DIM), lambda i: (i, 0)),
            pl.BlockSpec((DIM, DIM), lambda i: (0, 0)),
            vspec,
            vspec,
            vspec,
            vspec,
            vspec,
        ],
        out_specs=pl.BlockSpec((BB, DIM), lambda i: (i, 0)),
        out_shape=jax.ShapeDtypeStruct((BATCH, DIM), jnp.float32),
    )(pooled_sum, W, *params)


def kernel(inputs, table, W, b, gamma, beta, moving_mean, moving_var):
    pooled_sum = _sc_pool(inputs.reshape(BATCH * HIST), table)
    return _tc_finish(
        pooled_sum,
        W,
        b.reshape(1, DIM),
        gamma.reshape(1, DIM),
        beta.reshape(1, DIM),
        moving_mean.reshape(1, DIM),
        moving_var.reshape(1, DIM),
    )

# --- scband reference (transcript-rebuilt; emitter-appended) ---
"""Pipeline reference for scband-triplet-network-29832842838702 (READ-ONLY COPY).

The authoritative reference and input builder live on the scoring server;
editing this copy changes nothing except your own understanding.
"""

import jax, jax.numpy as jnp
import numpy as np

BATCH = 4096
HIST = 200
VOCAB = 100000
DIM = 128
BN_EPS = 1e-3


def setup_inputs(seed: int = 0) -> dict:
    key = jax.random.key(seed)
    k1, k2, k3 = jax.random.split(key, 3)
    indices = jax.random.randint(k1, (BATCH, HIST), 0, VOCAB, dtype=jnp.int64) if jax.config.read('jax_enable_x64') else jax.random.randint(k1, (BATCH, HIST), 0, VOCAB, dtype=jnp.int32)
    table = jax.random.normal(k2, (VOCAB, DIM), dtype=jnp.float32) * 0.05
    W = jax.random.normal(k3, (DIM, DIM), dtype=jnp.float32) * 0.05
    b = jnp.zeros((DIM,), dtype=jnp.float32)
    gamma = jnp.ones((DIM,), dtype=jnp.float32)
    beta = jnp.zeros((DIM,), dtype=jnp.float32)
    moving_mean = jnp.zeros((DIM,), dtype=jnp.float32)
    moving_var = jnp.ones((DIM,), dtype=jnp.float32)
    return {"inputs": indices, "table": table, "W": W, "b": b, "gamma": gamma, "beta": beta, "moving_mean": moving_mean, "moving_var": moving_var}


def reference(inputs, table, W, b, gamma, beta, moving_mean, moving_var):
    # Embedding lookup: [B, L] -> [B, L, D]
    emb = jnp.take(table, inputs, axis=0)
    # GlobalAveragePooling1D over the sequence axis: [B, D]
    pooled = jnp.mean(emb, axis=1)
    # Dense D -> D
    dense = pooled @ W + b
    # BatchNormalization in inference mode (training=None -> uses moving stats)
    normed = (dense - moving_mean) / jnp.sqrt(moving_var + BN_EPS) * gamma + beta
    # L2 normalize along last axis
    out = normed / jnp.linalg.norm(normed, axis=-1, keepdims=True)
    return out

if __name__ == "__main__":
    import jax
    _d = setup_inputs()
    print(jax.jit(kernel)(*tuple(_d.values())))

</pallas_src>

<mosaic_0001>
#map = affine_map<(d0, d1) -> (0)>
#map1 = affine_map<(d0, d1) -> (0, 0)>
module attributes {stable_mosaic.version = 14 : i64} {
  func.func @_sc_pool(%arg0: i32, %arg1: i32, %arg2: memref<819200xi32, #tpu.memory_space<hbm>>, %arg3: memref<100000x128xf32, #tpu.memory_space<hbm>>, %arg4: memref<4096x128xf32, #tpu.memory_space<hbm>>, %arg5: memref<25600xi32, #tpu.memory_space<vmem>>, %arg6: memref<3x200x128xf32, #tpu.memory_space<vmem>>, %arg7: memref<128x128xf32, #tpu.memory_space<vmem>>, %arg8: memref<!tpu.dma_semaphore, #tpu.memory_space<semaphore_mem>>) attributes {dimension_semantics = [#tpu.dimension_semantics<core_parallel>, #tpu.dimension_semantics<subcore_parallel>], iteration_bounds = array<i64: 2, 16>, scalar_prefetch = 0 : i64, scratch_operands = 4 : i64, tpu.core_type = #tpu.core_type<sc_vector_subcore>, window_params = [{transform_indices = #map}, {transform_indices = #map1}, {transform_indices = #map1}]} {
    %mul3A = arith.constant 2 : i32
    %mul3A_0 = arith.muli %arg1, %mul3A : i32
    %add3A = arith.addi %mul3A_0, %arg0 : i32
    %mul3A_1 = arith.constant 128 : i32
    %mul3A_2 = arith.muli %add3A, %mul3A_1 : i32
    %mul3A_3 = arith.constant 200 : i32
    %mul3A_4 = arith.muli %mul3A_2, %mul3A_3 : i32
    "tpu.region"() ({
      %run_scoped3A = tpu.sem_alloc : memref<!tpu.dma_semaphore, #tpu.memory_space<semaphore_mem>>
      %dma_start3A_236 = tpu.memref_slice %arg2[%mul3A_4] : memref<819200xi32, #tpu.memory_space<hbm>> -> memref<25600xi32, #tpu.memory_space<hbm>>
      %dma_start3A_237 = tpu.memref_slice %arg2[%mul3A_4] : memref<819200xi32, #tpu.memory_space<hbm>> -> memref<25600xi32, #tpu.memory_space<hbm>>
      tpu.enqueue_dma source(%dma_start3A_237 : memref<25600xi32, #tpu.memory_space<hbm>>) target(%arg5 : memref<25600xi32, #tpu.memory_space<vmem>>) target_semaphore(%run_scoped3A : memref<!tpu.dma_semaphore, #tpu.memory_space<semaphore_mem>>)
      %dma_wait3A_238 = tpu.memref_slice %arg2[%mul3A_4] : memref<819200xi32, #tpu.memory_space<hbm>> -> memref<25600xi32, #tpu.memory_space<hbm>>
      %dma_wait3A_239 = tpu.memref_slice %arg2[%mul3A_4] : memref<819200xi32, #tpu.memory_space<hbm>> -> memref<25600xi32, #tpu.memory_space<hbm>>
      tpu.wait_dma2 semaphore(%run_scoped3A : memref<!tpu.dma_semaphore, #tpu.memory_space<semaphore_mem>>) src(%dma_wait3A_239 : memref<25600xi32, #tpu.memory_space<hbm>>) dst(%arg5 : memref<25600xi32, #tpu.memory_space<vmem>>)
      tpu.yield
    }) : () -> ()
    %dma_start3A = arith.constant 0 : i32
    %dma_start3A_5 = arith.constant 0 : i32
    %dma_start3A_6 = arith.constant 0 : i32
    %dma_start3A_7 = tpu.memref_slice %arg6[%dma_start3A, %dma_start3A_5, %dma_start3A_6] : memref<3x200x128xf32, #tpu.memory_space<vmem>> -> memref<1x104x128xf32, #tpu.memory_space<vmem>>
    %dma_start3A_8 = tpu.memref_squeeze %dma_start3A_7 : memref<1x104x128xf32, #tpu.memory_space<vmem>> -> memref<104x128xf32, #tpu.memory_space<vmem>>
    %dma_start3A_9 = arith.constant 0 : i32
    %dma_start3A_10 = tpu.memref_slice %arg5[%dma_start3A_9] : memref<25600xi32, #tpu.memory_space<vmem>> -> memref<104xi32, #tpu.memory_space<vmem>>
    %dma_start3A_11 = arith.constant 0 : i32
    %dma_start3A_12 = arith.constant 0 : i32
    %dma_start3A_13 = tpu.memref_slice %arg3[%dma_start3A_11, %dma_start3A_12] : memref<100000x128xf32, #tpu.memory_space<hbm>> -> memref<100000x128xf32, #tpu.memory_space<hbm>>
    tpu.enqueue_indirect_dma source(%dma_start3A_13 : memref<100000x128xf32, #tpu.memory_space<hbm>>) target(%dma_start3A_8 : memref<104x128xf32, #tpu.memory_space<vmem>>) offsets(%dma_start3A_10 : memref<104xi32, #tpu.memory_space<vmem>>) semaphore(%arg8 : memref<!tpu.dma_semaphore, #tpu.memory_space<semaphore_mem>>)
    %dma_start3A_14 = arith.constant 0 : i32
    %dma_start3A_15 = arith.constant 104 : i32
    %dma_start3A_16 = arith.constant 0 : i32
    %dma_start3A_17 = tpu.memref_slice %arg6[%dma_start3A_14, %dma_start3A_15, %dma_start3A_16] : memref<3x200x128xf32, #tpu.memory_space<vmem>> -> memref<1x96x128xf32, #tpu.memory_space<vmem>>
    %dma_start3A_18 = tpu.memref_squeeze %dma_start3A_17 : memref<1x96x128xf32, #tpu.memory_space<vmem>> -> memref<96x128xf32, #tpu.memory_space<vmem>>
    %dma_start3A_19 = arith.constant 104 : i32
    %dma_start3A_20 = tpu.memref_slice %arg5[%dma_start3A_19] : memref<25600xi32, #tpu.memory_space<vmem>> -> memref<96xi32, #tpu.memory_space<vmem>>
    %dma_start3A_21 = arith.constant 0 : i32
    %dma_start3A_22 = arith.constant 0 : i32
    %dma_start3A_23 = tpu.memref_slice %arg3[%dma_start3A_21, %dma_start3A_22] : memref<100000x128xf32, #tpu.memory_space<hbm>> -> memref<100000x128xf32, #tpu.memory_space<hbm>>
    tpu.enqueue_indirect_dma source(%dma_start3A_23 : memref<100000x128xf32, #tpu.memory_space<hbm>>) target(%dma_start3A_18 : memref<96x128xf32, #tpu.memory_space<vmem>>) offsets(%dma_start3A_20 : memref<96xi32, #tpu.memory_space<vmem>>) semaphore(%arg8 : memref<!tpu.dma_semaphore, #tpu.memory_space<semaphore_mem>>)
    %dma_start3A_24 = arith.constant 1 : i32
    %dma_start3A_25 = arith.constant 0 : i32
    %dma_start3A_26 = arith.constant 0 : i32
    %dma_start3A_27 = tpu.memref_slice %arg6[%dma_start3A_24, %dma_start3A_25, %dma_start3A_26] : memref<3x200x128xf32, #tpu.memory_space<vmem>> -> memref<1x104x128xf32, #tpu.memory_space<vmem>>
    %dma_start3A_28 = tpu.memref_squeeze %dma_start3A_27 : memref<1x104x128xf32, #tpu.memory_space<vmem>> -> memref<104x128xf32, #tpu.memory_space<vmem>>
    %dma_start3A_29 = arith.constant 200 : i32
    %dma_start3A_30 = tpu.memref_slice %arg5[%dma_start3A_29] : memref<25600xi32, #tpu.memory_space<vmem>> -> memref<104xi32, #tpu.memory_space<vmem>>
    %dma_start3A_31 = arith.constant 0 : i32
    %dma_start3A_32 = arith.constant 0 : i32
    %dma_start3A_33 = tpu.memref_slice %arg3[%dma_start3A_31, %dma_start3A_32] : memref<100000x128xf32, #tpu.memory_space<hbm>> -> memref<100000x128xf32, #tpu.memory_space<hbm>>
    tpu.enqueue_indirect_dma source(%dma_start3A_33 : memref<100000x128xf32, #tpu.memory_space<hbm>>) target(%dma_start3A_28 : memref<104x128xf32, #tpu.memory_space<vmem>>) offsets(%dma_start3A_30 : memref<104xi32, #tpu.memory_space<vmem>>) semaphore(%arg8 : memref<!tpu.dma_semaphore, #tpu.memory_space<semaphore_mem>>)
    %dma_start3A_34 = arith.constant 1 : i32
    %dma_start3A_35 = arith.constant 104 : i32
    %dma_start3A_36 = arith.constant 0 : i32
    %dma_start3A_37 = tpu.memref_slice %arg6[%dma_start3A_34, %dma_start3A_35, %dma_start3A_36] : memref<3x200x128xf32, #tpu.memory_space<vmem>> -> memref<1x96x128xf32, #tpu.memory_space<vmem>>
    %dma_start3A_38 = tpu.memref_squeeze %dma_start3A_37 : memref<1x96x128xf32, #tpu.memory_space<vmem>> -> memref<96x128xf32, #tpu.memory_space<vmem>>
    %dma_start3A_39 = arith.constant 304 : i32
    %dma_start3A_40 = tpu.memref_slice %arg5[%dma_start3A_39] : memref<25600xi32, #tpu.memory_space<vmem>> -> memref<96xi32, #tpu.memory_space<vmem>>
    %dma_start3A_41 = arith.constant 0 : i32
    %dma_start3A_42 = arith.constant 0 : i32
    %dma_start3A_43 = tpu.memref_slice %arg3[%dma_start3A_41, %dma_start3A_42] : memref<100000x128xf32, #tpu.memory_space<hbm>> -> memref<100000x128xf32, #tpu.memory_space<hbm>>
    tpu.enqueue_indirect_dma source(%dma_start3A_43 : memref<100000x128xf32, #tpu.memory_space<hbm>>) target(%dma_start3A_38 : memref<96x128xf32, #tpu.memory_space<vmem>>) offsets(%dma_start3A_40 : memref<96xi32, #tpu.memory_space<vmem>>) semaphore(%arg8 : memref<!tpu.dma_semaphore, #tpu.memory_space<semaphore_mem>>)
    %dma_start3A_44 = arith.constant 2 : i32
    %dma_start3A_45 = arith.constant 0 : i32
    %dma_start3A_46 = arith.constant 0 : i32
    %dma_start3A_47 = tpu.memref_slice %arg6[%dma_start3A_44, %dma_start3A_45, %dma_start3A_46] : memref<3x200x128xf32, #tpu.memory_space<vmem>> -> memref<1x104x128xf32, #tpu.memory_space<vmem>>
    %dma_start3A_48 = tpu.memref_squeeze %dma_start3A_47 : memref<1x104x128xf32, #tpu.memory_space<vmem>> -> memref<104x128xf32, #tpu.memory_space<vmem>>
    %dma_start3A_49 = arith.constant 400 : i32
    %dma_start3A_50 = tpu.memref_slice %arg5[%dma_start3A_49] : memref<25600xi32, #tpu.memory_space<vmem>> -> memref<104xi32, #tpu.memory_space<vmem>>
    %dma_start3A_51 = arith.constant 0 : i32
    %dma_start3A_52 = arith.constant 0 : i32
    %dma_start3A_53 = tpu.memref_slice %arg3[%dma_start3A_51, %dma_start3A_52] : memref<100000x128xf32, #tpu.memory_space<hbm>> -> memref<100000x128xf32, #tpu.memory_space<hbm>>
    tpu.enqueue_indirect_dma source(%dma_start3A_53 : memref<100000x128xf32, #tpu.memory_space<hbm>>) target(%dma_start3A_48 : memref<104x128xf32, #tpu.memory_space<vmem>>) offsets(%dma_start3A_50 : memref<104xi32, #tpu.memory_space<vmem>>) semaphore(%arg8 : memref<!tpu.dma_semaphore, #tpu.memory_space<semaphore_mem>>)
    %dma_start3A_54 = arith.constant 2 : i32
    %dma_start3A_55 = arith.constant 104 : i32
    %dma_start3A_56 = arith.constant 0 : i32
    %dma_start3A_57 = tpu.memref_slice %arg6[%dma_start3A_54, %dma_start3A_55, %dma_start3A_56] : memref<3x200x128xf32, #tpu.memory_space<vmem>> -> memref<1x96x128xf32, #tpu.memory_space<vmem>>
    %dma_start3A_58 = tpu.memref_squeeze %dma_start3A_57 : memref<1x96x128xf32, #tpu.memory_space<vmem>> -> memref<96x128xf32, #tpu.memory_space<vmem>>
    %dma_start3A_59 = arith.constant 504 : i32
    %dma_start3A_60 = tpu.memref_slice %arg5[%dma_start3A_59] : memref<25600xi32, #tpu.memory_space<vmem>> -> memref<96xi32, #tpu.memory_space<vmem>>
    %dma_start3A_61 = arith.constant 0 : i32
    %dma_start3A_62 = arith.constant 0 : i32
    %dma_start3A_63 = tpu.memref_slice %arg3[%dma_start3A_61, %dma_start3A_62] : memref<100000x128xf32, #tpu.memory_space<hbm>> -> memref<100000x128xf32, #tpu.memory_space<hbm>>
    tpu.enqueue_indirect_dma source(%dma_start3A_63 : memref<100000x128xf32, #tpu.memory_space<hbm>>) target(%dma_start3A_58 : memref<96x128xf32, #tpu.memory_space<vmem>>) offsets(%dma_start3A_60 : memref<96xi32, #tpu.memory_space<vmem>>) semaphore(%arg8 : memref<!tpu.dma_semaphore, #tpu.memory_space<semaphore_mem>>)
    %scan3A = arith.constant 0 : i32
    %scan3A_64 = arith.constant 0 : i32
    %scan3A_65 = arith.constant 42 : i32
    %scan3A_66 = arith.addi %scan3A_64, %scan3A_65 : i32
    %scan3A_67 = arith.constant 1 : i32
    scf.for %scan3A_236 = %scan3A_64 to %scan3A_66 step %scan3A_67  : i32 {
      %mul3A_237 = arith.constant 3 : i32
      %mul3A_238 = arith.muli %mul3A_237, %scan3A_236 : i32
      %add3A_239 = arith.constant 0 : i32
      %add3A_240 = arith.addi %mul3A_238, %add3A_239 : i32
      %dma_wait3A_241 = arith.constant 0 : i32
      %dma_wait3A_242 = arith.constant 0 : i32
      %dma_wait3A_243 = arith.constant 0 : i32
      %dma_wait3A_244 = tpu.memref_slice %arg6[%dma_wait3A_241, %dma_wait3A_242, %dma_wait3A_243] : memref<3x200x128xf32, #tpu.memory_space<vmem>> -> memref<1x200x128xf32, #tpu.memory_space<vmem>>
      %dma_wait3A_245 = tpu.memref_squeeze %dma_wait3A_244 : memref<1x200x128xf32, #tpu.memory_space<vmem>> -> memref<200x128xf32, #tpu.memory_space<vmem>>
      %dma_wait3A_246 = arith.constant 0 : i32
      %dma_wait3A_247 = arith.constant 0 : i32
      %dma_wait3A_248 = tpu.memref_slice %arg3[%dma_wait3A_246, %dma_wait3A_247] : memref<100000x128xf32, #tpu.memory_space<hbm>> -> memref<200x128xf32, #tpu.memory_space<hbm>>
      %dma_wait3A_249 = arith.constant 0 : i32
      %dma_wait3A_250 = arith.constant 0 : i32
      %dma_wait3A_251 = tpu.memref_slice %arg6[%dma_wait3A_241, %dma_wait3A_249, %dma_wait3A_250] : memref<3x200x128xf32, #tpu.memory_space<vmem>> -> memref<1x200x128xf32, #tpu.memory_space<vmem>>
      %dma_wait3A_252 = tpu.memref_squeeze %dma_wait3A_251 : memref<1x200x128xf32, #tpu.memory_space<vmem>> -> memref<200x128xf32, #tpu.memory_space<vmem>>
      %dma_wait3A_253 = arith.constant 0 : i32
      %dma_wait3A_254 = arith.constant 0 : i32
      %dma_wait3A_255 = tpu.memref_slice %arg3[%dma_wait3A_253, %dma_wait3A_254] : memref<100000x128xf32, #tpu.memory_space<hbm>> -> memref<200x128xf32, #tpu.memory_space<hbm>>
      tpu.wait_dma2 semaphore(%arg8 : memref<!tpu.dma_semaphore, #tpu.memory_space<semaphore_mem>>) src(%dma_wait3A_255 : memref<200x128xf32, #tpu.memory_space<hbm>>) dst(%dma_wait3A_252 : memref<200x128xf32, #tpu.memory_space<vmem>>)
      %broadcast_in_dim3A_256 = arith.constant 0.000000e+00 : f32
      %broadcast_in_dim3A_257 = vector.broadcast %broadcast_in_dim3A_256 : f32 to vector<16xf32>
      %broadcast_in_dim3A_258 = arith.constant 0.000000e+00 : f32
      %broadcast_in_dim3A_259 = vector.broadcast %broadcast_in_dim3A_258 : f32 to vector<16xf32>
      %broadcast_in_dim3A_260 = arith.constant 0.000000e+00 : f32
      %broadcast_in_dim3A_261 = vector.broadcast %broadcast_in_dim3A_260 : f32 to vector<16xf32>
      %broadcast_in_dim3A_262 = arith.constant 0.000000e+00 : f32
      %broadcast_in_dim3A_263 = vector.broadcast %broadcast_in_dim3A_262 : f32 to vector<16xf32>
      %broadcast_in_dim3A_264 = arith.constant 0.000000e+00 : f32
      %broadcast_in_dim3A_265 = vector.broadcast %broadcast_in_dim3A_264 : f32 to vector<16xf32>
      %broadcast_in_dim3A_266 = arith.constant 0.000000e+00 : f32
      %broadcast_in_dim3A_267 = vector.broadcast %broadcast_in_dim3A_266 : f32 to vector<16xf32>
      %broadcast_in_dim3A_268 = arith.constant 0.000000e+00 : f32
      %broadcast_in_dim3A_269 = vector.broadcast %broadcast_in_dim3A_268 : f32 to vector<16xf32>
      %broadcast_in_dim3A_270 = arith.constant 0.000000e+00 : f32
      %broadcast_in_dim3A_271 = vector.broadcast %broadcast_in_dim3A_270 : f32 to vector<16xf32>
      %scan3A_272 = arith.constant 0 : i32
      %scan3A_273 = arith.constant 200 : i32
      %scan3A_274 = arith.addi %scan3A_272, %scan3A_273 : i32
      %scan3A_275 = arith.constant 1 : i32
      %scan3A_276:8 = scf.for %scan3A_498 = %scan3A_272 to %scan3A_274 step %scan3A_275 iter_args(%scan3A_499 = %broadcast_in_dim3A_257, %scan3A_500 = %broadcast_in_dim3A_259, %scan3A_501 = %broadcast_in_dim3A_261, %scan3A_502 = %broadcast_in_dim3A_263, %scan3A_503 = %broadcast_in_dim3A_265, %scan3A_504 = %broadcast_in_dim3A_267, %scan3A_505 = %broadcast_in_dim3A_269, %scan3A_506 = %broadcast_in_dim3A_271) -> (vector<16xf32>, vector<16xf32>, vector<16xf32>, vector<16xf32>, vector<16xf32>, vector<16xf32>, vector<16xf32>, vector<16xf32>)  : i32 {
        %get3A = arith.constant 0 : i32
        %get3A_507 = arith.index_cast %get3A : i32 to index
        %get3A_508 = arith.index_cast %scan3A_498 : i32 to index
        %get3A_509 = arith.constant 0 : index
        %get3A_510 = tpu.vector_load %arg6[%get3A_507, %get3A_508, %get3A_509] {strides = array<i32>} : memref<3x200x128xf32, #tpu.memory_space<vmem>>, vector<1x1x16xf32>,
        %get3A_511 = vector.shape_cast %get3A_510 : vector<1x1x16xf32> to vector<16xf32>
        %add3A_512 = arith.addf %scan3A_499, %get3A_511 : vector<16xf32>
        %get3A_513 = arith.constant 0 : i32
        %get3A_514 = arith.index_cast %get3A_513 : i32 to index
        %get3A_515 = arith.index_cast %scan3A_498 : i32 to index
        %get3A_516 = arith.constant 16 : index
        %get3A_517 = tpu.vector_load %arg6[%get3A_514, %get3A_515, %get3A_516] {strides = array<i32>} : memref<3x200x128xf32, #tpu.memory_space<vmem>>, vector<1x1x16xf32>,
        %get3A_518 = vector.shape_cast %get3A_517 : vector<1x1x16xf32> to vector<16xf32>
        %add3A_519 = arith.addf %scan3A_500, %get3A_518 : vector<16xf32>
        %get3A_520 = arith.constant 0 : i32
        %get3A_521 = arith.index_cast %get3A_520 : i32 to index
        %get3A_522 = arith.index_cast %scan3A_498 : i32 to index
        %get3A_523 = arith.constant 32 : index
        %get3A_524 = tpu.vector_load %arg6[%get3A_521, %get3A_522, %get3A_523] {strides = array<i32>} : memref<3x200x128xf32, #tpu.memory_space<vmem>>, vector<1x1x16xf32>,
        %get3A_525 = vector.shape_cast %get3A_524 : vector<1x1x16xf32> to vector<16xf32>
        %add3A_526 = arith.addf %scan3A_501, %get3A_525 : vector<16xf32>
        %get3A_527 = arith.constant 0 : i32
        %get3A_528 = arith.index_cast %get3A_527 : i32 to index
        %get3A_529 = arith.index_cast %scan3A_498 : i32 to index
        %get3A_530 = arith.constant 48 : index
        %get3A_531 = tpu.vector_load %arg6[%get3A_528, %get3A_529, %get3A_530] {strides = array<i32>} : memref<3x200x128xf32, #tpu.memory_space<vmem>>, vector<1x1x16xf32>,
        %get3A_532 = vector.shape_cast %get3A_531 : vector<1x1x16xf32> to vector<16xf32>
        %add3A_533 = arith.addf %scan3A_502, %get3A_532 : vector<16xf32>
        %get3A_534 = arith.constant 0 : i32
        %get3A_535 = arith.index_cast %get3A_534 : i32 to index
        %get3A_536 = arith.index_cast %scan3A_498 : i32 to index
        %get3A_537 = arith.constant 64 : index
        %get3A_538 = tpu.vector_load %arg6[%get3A_535, %get3A_536, %get3A_537] {strides = array<i32>} : memref<3x200x128xf32, #tpu.memory_space<vmem>>, vector<1x1x16xf32>,
        %get3A_539 = vector.shape_cast %get3A_538 : vector<1x1x16xf32> to vector<16xf32>
        %add3A_540 = arith.addf %scan3A_503, %get3A_539 : vector<16xf32>
        %get3A_541 = arith.constant 0 : i32
        %get3A_542 = arith.index_cast %get3A_541 : i32 to index
        %get3A_543 = arith.index_cast %scan3A_498 : i32 to index
        %get3A_544 = arith.constant 80 : index
        %get3A_545 = tpu.vector_load %arg6[%get3A_542, %get3A_543, %get3A_544] {strides = array<i32>} : memref<3x200x128xf32, #tpu.memory_space<vmem>>, vector<1x1x16xf32>,
        %get3A_546 = vector.shape_cast %get3A_545 : vector<1x1x16xf32> to vector<16xf32>
        %add3A_547 = arith.addf %scan3A_504, %get3A_546 : vector<16xf32>
        %get3A_548 = arith.constant 0 : i32
        %get3A_549 = arith.index_cast %get3A_548 : i32 to index
        %get3A_550 = arith.index_cast %scan3A_498 : i32 to index
        %get3A_551 = arith.constant 96 : index
        %get3A_552 = tpu.vector_load %arg6[%get3A_549, %get3A_550, %get3A_551] {strides = array<i32>} : memref<3x200x128xf32, #tpu.memory_space<vmem>>, vector<1x1x16xf32>,
        %get3A_553 = vector.shape_cast %get3A_552 : vector<1x1x16xf32> to vector<16xf32>
        %add3A_554 = arith.addf %scan3A_505, %get3A_553 : vector<16xf32>
        %get3A_555 = arith.constant 0 : i32
        %get3A_556 = arith.index_cast %get3A_555 : i32 to index
        %get3A_557 = arith.index_cast %scan3A_498 : i32 to index
        %get3A_558 = arith.constant 112 : index
        %get3A_559 = tpu.vector_load %arg6[%get3A_556, %get3A_557, %get3A_558] {strides = array<i32>} : memref<3x200x128xf32, #tpu.memory_space<vmem>>, vector<1x1x16xf32>,
        %get3A_560 = vector.shape_cast %get3A_559 : vector<1x1x16xf32> to vector<16xf32>
        %add3A_561 = arith.addf %scan3A_506, %get3A_560 : vector<16xf32>
        scf.yield %add3A_512, %add3A_519, %add3A_526, %add3A_533, %add3A_540, %add3A_547, %add3A_554, %add3A_561 : vector<16xf32>, vector<16xf32>, vector<16xf32>, vector<16xf32>, vector<16xf32>, vector<16xf32>, vector<16xf32>, vector<16xf32>
      }
      %scan3A_277 = arith.constant 200 : i32
      %swap3A_278 = arith.index_cast %add3A_240 : i32 to index
      %swap3A_279 = arith.constant 0 : index
      %swap3A_280 = tpu.vector_load %arg7[%swap3A_278, %swap3A_279] {strides = array<i32>} : memref<128x128xf32, #tpu.memory_space<vmem>>, vector<1x16xf32>,
      %swap3A_281 = vector.shape_cast %swap3A_280 : vector<1x16xf32> to vector<16xf32>
      %swap3A_282 = vector.shape_cast %scan3A_276#0 : vector<16xf32> to vector<1x16xf32>
      tpu.vector_store %arg7[%swap3A_278, %swap3A_279], %swap3A_282 {strides = array<i32>} : memref<128x128xf32, #tpu.memory_space<vmem>>, vector<1x16xf32>,
      %swap3A_283 = arith.index_cast %add3A_240 : i32 to index
      %swap3A_284 = arith.constant 16 : index
      %swap3A_285 = tpu.vector_load %arg7[%swap3A_283, %swap3A_284] {strides = array<i32>} : memref<128x128xf32, #tpu.memory_space<vmem>>, vector<1x16xf32>,
      %swap3A_286 = vector.shape_cast %swap3A_285 : vector<1x16xf32> to vector<16xf32>
      %swap3A_287 = vector.shape_cast %scan3A_276#1 : vector<16xf32> to vector<1x16xf32>
      tpu.vector_store %arg7[%swap3A_283, %swap3A_284], %swap3A_287 {strides = array<i32>} : memref<128x128xf32, #tpu.memory_space<vmem>>, vector<1x16xf32>,
      %swap3A_288 = arith.index_cast %add3A_240 : i32 to index
      %swap3A_289 = arith.constant 32 : index
      %swap3A_290 = tpu.vector_load %arg7[%swap3A_288, %swap3A_289] {strides = array<i32>} : memref<128x128xf32, #tpu.memory_space<vmem>>, vector<1x16xf32>,
      %swap3A_291 = vector.shape_cast %swap3A_290 : vector<1x16xf32> to vector<16xf32>
      %swap3A_292 = vector.shape_cast %scan3A_276#2 : vector<16xf32> to vector<1x16xf32>
      tpu.vector_store %arg7[%swap3A_288, %swap3A_289], %swap3A_292 {strides = array<i32>} : memref<128x128xf32, #tpu.memory_space<vmem>>, vector<1x16xf32>,
      %swap3A_293 = arith.index_cast %add3A_240 : i32 to index
      %swap3A_294 = arith.constant 48 : index
      %swap3A_295 = tpu.vector_load %arg7[%swap3A_293, %swap3A_294] {strides = array<i32>} : memref<128x128xf32, #tpu.memory_space<vmem>>, vector<1x16xf32>,
      %swap3A_296 = vector.shape_cast %swap3A_295 : vector<1x16xf32> to vector<16xf32>
      %swap3A_297 = vector.shape_cast %scan3A_276#3 : vector<16xf32> to vector<1x16xf32>
      tpu.vector_store %arg7[%swap3A_293, %swap3A_294], %swap3A_297 {strides = array<i32>} : memref<128x128xf32, #tpu.memory_space<vmem>>, vector<1x16xf32>,
      %swap3A_298 = arith.index_cast %add3A_240 : i32 to index
      %swap3A_299 = arith.constant 64 : index
      %swap3A_300 = tpu.vector_load %arg7[%swap3A_298, %swap3A_299] {strides = array<i32>} : memref<128x128xf32, #tpu.memory_space<vmem>>, vector<1x16xf32>,
      %swap3A_301 = vector.shape_cast %swap3A_300 : vector<1x16xf32> to vector<16xf32>
      %swap3A_302 = vector.shape_cast %scan3A_276#4 : vector<16xf32> to vector<1x16xf32>
      tpu.vector_store %arg7[%swap3A_298, %swap3A_299], %swap3A_302 {strides = array<i32>} : memref<128x128xf32, #tpu.memory_space<vmem>>, vector<1x16xf32>,
      %swap3A_303 = arith.index_cast %add3A_240 : i32 to index
      %swap3A_304 = arith.constant 80 : index
      %swap3A_305 = tpu.vector_load %arg7[%swap3A_303, %swap3A_304] {strides = array<i32>} : memref<128x128xf32, #tpu.memory_space<vmem>>, vector<1x16xf32>,
      %swap3A_306 = vector.shape_cast %swap3A_305 : vector<1x16xf32> to vector<16xf32>
      %swap3A_307 = vector.shape_cast %scan3A_276#5 : vector<16xf32> to vector<1x16xf32>
      tpu.vector_store %arg7[%swap3A_303, %swap3A_304], %swap3A_307 {strides = array<i32>} : memref<128x128xf32, #tpu.memory_space<vmem>>, vector<1x16xf32>,
      %swap3A_308 = arith.index_cast %add3A_240 : i32 to index
      %swap3A_309 = arith.constant 96 : index
      %swap3A_310 = tpu.vector_load %arg7[%swap3A_308, %swap3A_309] {strides = array<i32>} : memref<128x128xf32, #tpu.memory_space<vmem>>, vector<1x16xf32>,
      %swap3A_311 = vector.shape_cast %swap3A_310 : vector<1x16xf32> to vector<16xf32>
      %swap3A_312 = vector.shape_cast %scan3A_276#6 : vector<16xf32> to vector<1x16xf32>
      tpu.vector_store %arg7[%swap3A_308, %swap3A_309], %swap3A_312 {strides = array<i32>} : memref<128x128xf32, #tpu.memory_space<vmem>>, vector<1x16xf32>,
      %swap3A_313 = arith.index_cast %add3A_240 : i32 to index
      %swap3A_314 = arith.constant 112 : index
      %swap3A_315 = tpu.vector_load %arg7[%swap3A_313, %swap3A_314] {strides = array<i32>} : memref<128x128xf32, #tpu.memory_space<vmem>>, vector<1x16xf32>,
      %swap3A_316 = vector.shape_cast %swap3A_315 : vector<1x16xf32> to vector<16xf32>
      %swap3A_317 = vector.shape_cast %scan3A_276#7 : vector<16xf32> to vector<1x16xf32>
      tpu.vector_store %arg7[%swap3A_313, %swap3A_314], %swap3A_317 {strides = array<i32>} : memref<128x128xf32, #tpu.memory_space<vmem>>, vector<1x16xf32>,
      %add3A_318 = arith.constant 3 : i32
      %add3A_319 = arith.addi %add3A_240, %add3A_318 : i32
      %lt3A = arith.constant 128 : i32
      %lt3A_320 = arith.cmpi slt, %add3A_319, %lt3A : i32
      %convert_element_type3A = arith.extui %lt3A_320 : i1 to i32
      %cond3A = arith.constant 0 : i32
      %cond3A_321 = arith.cmpi ne, %convert_element_type3A, %cond3A : i32
      scf.if %cond3A_321 {
        %add3A_498 = arith.constant 3 : i32
        %add3A_499 = arith.addi %add3A_240, %add3A_498 : i32
        %mul3A_500 = arith.constant 200 : i32
        %mul3A_501 = arith.muli %add3A_499, %mul3A_500 : i32
        %add3A_502 = arith.constant 0 : i32
        %add3A_503 = arith.addi %mul3A_501, %add3A_502 : i32
        %dma_start3A_504 = arith.constant 0 : i32
        %dma_start3A_505 = arith.constant 0 : i32
        %dma_start3A_506 = arith.constant 0 : i32
        %dma_start3A_507 = tpu.memref_slice %arg6[%dma_start3A_504, %dma_start3A_505, %dma_start3A_506] : memref<3x200x128xf32, #tpu.memory_space<vmem>> -> memref<1x104x128xf32, #tpu.memory_space<vmem>>
        %dma_start3A_508 = tpu.memref_squeeze %dma_start3A_507 : memref<1x104x128xf32, #tpu.memory_space<vmem>> -> memref<104x128xf32, #tpu.memory_space<vmem>>
        %dma_start3A_509 = tpu.memref_slice %arg5[%add3A_503] : memref<25600xi32, #tpu.memory_space<vmem>> -> memref<104xi32, #tpu.memory_space<vmem>>
        %dma_start3A_510 = arith.constant 0 : i32
        %dma_start3A_511 = arith.constant 0 : i32
        %dma_start3A_512 = tpu.memref_slice %arg3[%dma_start3A_510, %dma_start3A_511] : memref<100000x128xf32, #tpu.memory_space<hbm>> -> memref<100000x128xf32, #tpu.memory_space<hbm>>
        tpu.enqueue_indirect_dma source(%dma_start3A_512 : memref<100000x128xf32, #tpu.memory_space<hbm>>) target(%dma_start3A_508 : memref<104x128xf32, #tpu.memory_space<vmem>>) offsets(%dma_start3A_509 : memref<104xi32, #tpu.memory_space<vmem>>) semaphore(%arg8 : memref<!tpu.dma_semaphore, #tpu.memory_space<semaphore_mem>>)
        %mul3A_513 = arith.constant 200 : i32
        %mul3A_514 = arith.muli %add3A_499, %mul3A_513 : i32
        %add3A_515 = arith.constant 104 : i32
        %add3A_516 = arith.addi %mul3A_514, %add3A_515 : i32
        %dma_start3A_517 = arith.constant 0 : i32
        %dma_start3A_518 = arith.constant 104 : i32
        %dma_start3A_519 = arith.constant 0 : i32
        %dma_start3A_520 = tpu.memref_slice %arg6[%dma_start3A_517, %dma_start3A_518, %dma_start3A_519] : memref<3x200x128xf32, #tpu.memory_space<vmem>> -> memref<1x96x128xf32, #tpu.memory_space<vmem>>
        %dma_start3A_521 = tpu.memref_squeeze %dma_start3A_520 : memref<1x96x128xf32, #tpu.memory_space<vmem>> -> memref<96x128xf32, #tpu.memory_space<vmem>>
        %dma_start3A_522 = tpu.memref_slice %arg5[%add3A_516] : memref<25600xi32, #tpu.memory_space<vmem>> -> memref<96xi32, #tpu.memory_space<vmem>>
        %dma_start3A_523 = arith.constant 0 : i32
        %dma_start3A_524 = arith.constant 0 : i32
        %dma_start3A_525 = tpu.memref_slice %arg3[%dma_start3A_523, %dma_start3A_524] : memref<100000x128xf32, #tpu.memory_space<hbm>> -> memref<100000x128xf32, #tpu.memory_space<hbm>>
        tpu.enqueue_indirect_dma source(%dma_start3A_525 : memref<100000x128xf32, #tpu.memory_space<hbm>>) target(%dma_start3A_521 : memref<96x128xf32, #tpu.memory_space<vmem>>) offsets(%dma_start3A_522 : memref<96xi32, #tpu.memory_space<vmem>>) semaphore(%arg8 : memref<!tpu.dma_semaphore, #tpu.memory_space<semaphore_mem>>)
      } else {
      }
      %mul3A_322 = arith.constant 3 : i32
      %mul3A_323 = arith.muli %mul3A_322, %scan3A_236 : i32
      %add3A_324 = arith.constant 1 : i32
      %add3A_325 = arith.addi %mul3A_323, %add3A_324 : i32
      %dma_wait3A_326 = arith.constant 1 : i32
      %dma_wait3A_327 = arith.constant 0 : i32
      %dma_wait3A_328 = arith.constant 0 : i32
      %dma_wait3A_329 = tpu.memref_slice %arg6[%dma_wait3A_326, %dma_wait3A_327, %dma_wait3A_328] : memref<3x200x128xf32, #tpu.memory_space<vmem>> -> memref<1x200x128xf32, #tpu.memory_space<vmem>>
      %dma_wait3A_330 = tpu.memref_squeeze %dma_wait3A_329 : memref<1x200x128xf32, #tpu.memory_space<vmem>> -> memref<200x128xf32, #tpu.memory_space<vmem>>
      %dma_wait3A_331 = arith.constant 0 : i32
      %dma_wait3A_332 = arith.constant 0 : i32
      %dma_wait3A_333 = tpu.memref_slice %arg3[%dma_wait3A_331, %dma_wait3A_332] : memref<100000x128xf32, #tpu.memory_space<hbm>> -> memref<200x128xf32, #tpu.memory_space<hbm>>
      %dma_wait3A_334 = arith.constant 0 : i32
      %dma_wait3A_335 = arith.constant 0 : i32
      %dma_wait3A_336 = tpu.memref_slice %arg6[%dma_wait3A_326, %dma_wait3A_334, %dma_wait3A_335] : memref<3x200x128xf32, #tpu.memory_space<vmem>> -> memref<1x200x128xf32, #tpu.memory_space<vmem>>
      %dma_wait3A_337 = tpu.memref_squeeze %dma_wait3A_336 : memref<1x200x128xf32, #tpu.memory_space<vmem>> -> memref<200x128xf32, #tpu.memory_space<vmem>>
      %dma_wait3A_338 = arith.constant 0 : i32
      %dma_wait3A_339 = arith.constant 0 : i32
      %dma_wait3A_340 = tpu.memref_slice %arg3[%dma_wait3A_338, %dma_wait3A_339] : memref<100000x128xf32, #tpu.memory_space<hbm>> -> memref<200x128xf32, #tpu.memory_space<hbm>>
      tpu.wait_dma2 semaphore(%arg8 : memref<!tpu.dma_semaphore, #tpu.memory_space<semaphore_mem>>) src(%dma_wait3A_340 : memref<200x128xf32, #tpu.memory_space<hbm>>) dst(%dma_wait3A_337 : memref<200x128xf32, #tpu.memory_space<vmem>>)
      %broadcast_in_dim3A_341 = arith.constant 0.000000e+00 : f32
      %broadcast_in_dim3A_342 = vector.broadcast %broadcast_in_dim3A_341 : f32 to vector<16xf32>
      %broadcast_in_dim3A_343 = arith.constant 0.000000e+00 : f32
      %broadcast_in_dim3A_344 = vector.broadcast %broadcast_in_dim3A_343 : f32 to vector<16xf32>
      %broadcast_in_dim3A_345 = arith.constant 0.000000e+00 : f32
      %broadcast_in_dim3A_346 = vector.broadcast %broadcast_in_dim3A_345 : f32 to vector<16xf32>
      %broadcast_in_dim3A_347 = arith.constant 0.000000e+00 : f32
      %broadcast_in_dim3A_348 = vector.broadcast %broadcast_in_dim3A_347 : f32 to vector<16xf32>
      %broadcast_in_dim3A_349 = arith.constant 0.000000e+00 : f32
      %broadcast_in_dim3A_350 = vector.broadcast %broadcast_in_dim3A_349 : f32 to vector<16xf32>
      %broadcast_in_dim3A_351 = arith.constant 0.000000e+00 : f32
      %broadcast_in_dim3A_352 = vector.broadcast %broadcast_in_dim3A_351 : f32 to vector<16xf32>
      %broadcast_in_dim3A_353 = arith.constant 0.000000e+00 : f32
      %broadcast_in_dim3A_354 = vector.broadcast %broadcast_in_dim3A_353 : f32 to vector<16xf32>
      %broadcast_in_dim3A_355 = arith.constant 0.000000e+00 : f32
      %broadcast_in_dim3A_356 = vector.broadcast %broadcast_in_dim3A_355 : f32 to vector<16xf32>
      %scan3A_357 = arith.constant 0 : i32
      %scan3A_358 = arith.constant 200 : i32
      %scan3A_359 = arith.addi %scan3A_357, %scan3A_358 : i32
      %scan3A_360 = arith.constant 1 : i32
      %scan3A_361:8 = scf.for %scan3A_498 = %scan3A_357 to %scan3A_359 step %scan3A_360 iter_args(%scan3A_499 = %broadcast_in_dim3A_342, %scan3A_500 = %broadcast_in_dim3A_344, %scan3A_501 = %broadcast_in_dim3A_346, %scan3A_502 = %broadcast_in_dim3A_348, %scan3A_503 = %broadcast_in_dim3A_350, %scan3A_504 = %broadcast_in_dim3A_352, %scan3A_505 = %broadcast_in_dim3A_354, %scan3A_506 = %broadcast_in_dim3A_356) -> (vector<16xf32>, vector<16xf32>, vector<16xf32>, vector<16xf32>, vector<16xf32>, vector<16xf32>, vector<16xf32>, vector<16xf32>)  : i32 {
        %get3A = arith.constant 1 : i32
        %get3A_507 = arith.index_cast %get3A : i32 to index
        %get3A_508 = arith.index_cast %scan3A_498 : i32 to index
        %get3A_509 = arith.constant 0 : index
        %get3A_510 = tpu.vector_load %arg6[%get3A_507, %get3A_508, %get3A_509] {strides = array<i32>} : memref<3x200x128xf32, #tpu.memory_space<vmem>>, vector<1x1x16xf32>,
        %get3A_511 = vector.shape_cast %get3A_510 : vector<1x1x16xf32> to vector<16xf32>
        %add3A_512 = arith.addf %scan3A_499, %get3A_511 : vector<16xf32>
        %get3A_513 = arith.constant 1 : i32
        %get3A_514 = arith.index_cast %get3A_513 : i32 to index
        %get3A_515 = arith.index_cast %scan3A_498 : i32 to index
        %get3A_516 = arith.constant 16 : index
        %get3A_517 = tpu.vector_load %arg6[%get3A_514, %get3A_515, %get3A_516] {strides = array<i32>} : memref<3x200x128xf32, #tpu.memory_space<vmem>>, vector<1x1x16xf32>,
        %get3A_518 = vector.shape_cast %get3A_517 : vector<1x1x16xf32> to vector<16xf32>
        %add3A_519 = arith.addf %scan3A_500, %get3A_518 : vector<16xf32>
        %get3A_520 = arith.constant 1 : i32
        %get3A_521 = arith.index_cast %get3A_520 : i32 to index
        %get3A_522 = arith.index_cast %scan3A_498 : i32 to index
        %get3A_523 = arith.constant 32 : index
        %get3A_524 = tpu.vector_load %arg6[%get3A_521, %get3A_522, %get3A_523] {strides = array<i32>} : memref<3x200x128xf32, #tpu.memory_space<vmem>>, vector<1x1x16xf32>,
        %get3A_525 = vector.shape_cast %get3A_524 : vector<1x1x16xf32> to vector<16xf32>
        %add3A_526 = arith.addf %scan3A_501, %get3A_525 : vector<16xf32>
        %get3A_527 = arith.constant 1 : i32
        %get3A_528 = arith.index_cast %get3A_527 : i32 to index
        %get3A_529 = arith.index_cast %scan3A_498 : i32 to index
        %get3A_530 = arith.constant 48 : index
        %get3A_531 = tpu.vector_load %arg6[%get3A_528, %get3A_529, %get3A_530] {strides = array<i32>} : memref<3x200x128xf32, #tpu.memory_space<vmem>>, vector<1x1x16xf32>,
        %get3A_532 = vector.shape_cast %get3A_531 : vector<1x1x16xf32> to vector<16xf32>
        %add3A_533 = arith.addf %scan3A_502, %get3A_532 : vector<16xf32>
        %get3A_534 = arith.constant 1 : i32
        %get3A_535 = arith.index_cast %get3A_534 : i32 to index
        %get3A_536 = arith.index_cast %scan3A_498 : i32 to index
        %get3A_537 = arith.constant 64 : index
        %get3A_538 = tpu.vector_load %arg6[%get3A_535, %get3A_536, %get3A_537] {strides = array<i32>} : memref<3x200x128xf32, #tpu.memory_space<vmem>>, vector<1x1x16xf32>,
        %get3A_539 = vector.shape_cast %get3A_538 : vector<1x1x16xf32> to vector<16xf32>
        %add3A_540 = arith.addf %scan3A_503, %get3A_539 : vector<16xf32>
        %get3A_541 = arith.constant 1 : i32
        %get3A_542 = arith.index_cast %get3A_541 : i32 to index
        %get3A_543 = arith.index_cast %scan3A_498 : i32 to index
        %get3A_544 = arith.constant 80 : index
        %get3A_545 = tpu.vector_load %arg6[%get3A_542, %get3A_543, %get3A_544] {strides = array<i32>} : memref<3x200x128xf32, #tpu.memory_space<vmem>>, vector<1x1x16xf32>,
        %get3A_546 = vector.shape_cast %get3A_545 : vector<1x1x16xf32> to vector<16xf32>
        %add3A_547 = arith.addf %scan3A_504, %get3A_546 : vector<16xf32>
        %get3A_548 = arith.constant 1 : i32
        %get3A_549 = arith.index_cast %get3A_548 : i32 to index
        %get3A_550 = arith.index_cast %scan3A_498 : i32 to index
        %get3A_551 = arith.constant 96 : index
        %get3A_552 = tpu.vector_load %arg6[%get3A_549, %get3A_550, %get3A_551] {strides = array<i32>} : memref<3x200x128xf32, #tpu.memory_space<vmem>>, vector<1x1x16xf32>,
        %get3A_553 = vector.shape_cast %get3A_552 : vector<1x1x16xf32> to vector<16xf32>
        %add3A_554 = arith.addf %scan3A_505, %get3A_553 : vector<16xf32>
        %get3A_555 = arith.constant 1 : i32
        %get3A_556 = arith.index_cast %get3A_555 : i32 to index
        %get3A_557 = arith.index_cast %scan3A_498 : i32 to index
        %get3A_558 = arith.constant 112 : index
        %get3A_559 = tpu.vector_load %arg6[%get3A_556, %get3A_557, %get3A_558] {strides = array<i32>} : memref<3x200x128xf32, #tpu.memory_space<vmem>>, vector<1x1x16xf32>,
        %get3A_560 = vector.shape_cast %get3A_559 : vector<1x1x16xf32> to vector<16xf32>
        %add3A_561 = arith.addf %scan3A_506, %get3A_560 : vector<16xf32>
        scf.yield %add3A_512, %add3A_519, %add3A_526, %add3A_533, %add3A_540, %add3A_547, %add3A_554, %add3A_561 : vector<16xf32>, vector<16xf32>, vector<16xf32>, vector<16xf32>, vector<16xf32>, vector<16xf32>, vector<16xf32>, vector<16xf32>
      }
      %scan3A_362 = arith.constant 200 : i32
      %swap3A_363 = arith.index_cast %add3A_325 : i32 to index
      %swap3A_364 = arith.constant 0 : index
      %swap3A_365 = tpu.vector_load %arg7[%swap3A_363, %swap3A_364] {strides = array<i32>} : memref<128x128xf32, #tpu.memory_space<vmem>>, vector<1x16xf32>,
      %swap3A_366 = vector.shape_cast %swap3A_365 : vector<1x16xf32> to vector<16xf32>
      %swap3A_367 = vector.shape_cast %scan3A_361#0 : vector<16xf32> to vector<1x16xf32>
      tpu.vector_store %arg7[%swap3A_363, %swap3A_364], %swap3A_367 {strides = array<i32>} : memref<128x128xf32, #tpu.memory_space<vmem>>, vector<1x16xf32>,
      %swap3A_368 = arith.index_cast %add3A_325 : i32 to index
      %swap3A_369 = arith.constant 16 : index
      %swap3A_370 = tpu.vector_load %arg7[%swap3A_368, %swap3A_369] {strides = array<i32>} : memref<128x128xf32, #tpu.memory_space<vmem>>, vector<1x16xf32>,
      %swap3A_371 = vector.shape_cast %swap3A_370 : vector<1x16xf32> to vector<16xf32>
      %swap3A_372 = vector.shape_cast %scan3A_361#1 : vector<16xf32> to vector<1x16xf32>
      tpu.vector_store %arg7[%swap3A_368, %swap3A_369], %swap3A_372 {strides = array<i32>} : memref<128x128xf32, #tpu.memory_space<vmem>>, vector<1x16xf32>,
      %swap3A_373 = arith.index_cast %add3A_325 : i32 to index
      %swap3A_374 = arith.constant 32 : index
      %swap3A_375 = tpu.vector_load %arg7[%swap3A_373, %swap3A_374] {strides = array<i32>} : memref<128x128xf32, #tpu.memory_space<vmem>>, vector<1x16xf32>,
      %swap3A_376 = vector.shape_cast %swap3A_375 : vector<1x16xf32> to vector<16xf32>
      %swap3A_377 = vector.shape_cast %scan3A_361#2 : vector<16xf32> to vector<1x16xf32>
      tpu.vector_store %arg7[%swap3A_373, %swap3A_374], %swap3A_377 {strides = array<i32>} : memref<128x128xf32, #tpu.memory_space<vmem>>, vector<1x16xf32>,
      %swap3A_378 = arith.index_cast %add3A_325 : i32 to index
      %swap3A_379 = arith.constant 48 : index
      %swap3A_380 = tpu.vector_load %arg7[%swap3A_378, %swap3A_379] {strides = array<i32>} : memref<128x128xf32, #tpu.memory_space<vmem>>, vector<1x16xf32>,
      %swap3A_381 = vector.shape_cast %swap3A_380 : vector<1x16xf32> to vector<16xf32>
      %swap3A_382 = vector.shape_cast %scan3A_361#3 : vector<16xf32> to vector<1x16xf32>
      tpu.vector_store %arg7[%swap3A_378, %swap3A_379], %swap3A_382 {strides = array<i32>} : memref<128x128xf32, #tpu.memory_space<vmem>>, vector<1x16xf32>,
      %swap3A_383 = arith.index_cast %add3A_325 : i32 to index
      %swap3A_384 = arith.constant 64 : index
      %swap3A_385 = tpu.vector_load %arg7[%swap3A_383, %swap3A_384] {strides = array<i32>} : memref<128x128xf32, #tpu.memory_space<vmem>>, vector<1x16xf32>,
      %swap3A_386 = vector.shape_cast %swap3A_385 : vector<1x16xf32> to vector<16xf32>
      %swap3A_387 = vector.shape_cast %scan3A_361#4 : vector<16xf32> to vector<1x16xf32>
      tpu.vector_store %arg7[%swap3A_383, %swap3A_384], %swap3A_387 {strides = array<i32>} : memref<128x128xf32, #tpu.memory_space<vmem>>, vector<1x16xf32>,
      %swap3A_388 = arith.index_cast %add3A_325 : i32 to index
      %swap3A_389 = arith.constant 80 : index
      %swap3A_390 = tpu.vector_load %arg7[%swap3A_388, %swap3A_389] {strides = array<i32>} : memref<128x128xf32, #tpu.memory_space<vmem>>, vector<1x16xf32>,
      %swap3A_391 = vector.shape_cast %swap3A_390 : vector<1x16xf32> to vector<16xf32>
      %swap3A_392 = vector.shape_cast %scan3A_361#5 : vector<16xf32> to vector<1x16xf32>
      tpu.vector_store %arg7[%swap3A_388, %swap3A_389], %swap3A_392 {strides = array<i32>} : memref<128x128xf32, #tpu.memory_space<vmem>>, vector<1x16xf32>,
      %swap3A_393 = arith.index_cast %add3A_325 : i32 to index
      %swap3A_394 = arith.constant 96 : index
      %swap3A_395 = tpu.vector_load %arg7[%swap3A_393, %swap3A_394] {strides = array<i32>} : memref<128x128xf32, #tpu.memory_space<vmem>>, vector<1x16xf32>,
      %swap3A_396 = vector.shape_cast %swap3A_395 : vector<1x16xf32> to vector<16xf32>
      %swap3A_397 = vector.shape_cast %scan3A_361#6 : vector<16xf32> to vector<1x16xf32>
      tpu.vector_store %arg7[%swap3A_393, %swap3A_394], %swap3A_397 {strides = array<i32>} : memref<128x128xf32, #tpu.memory_space<vmem>>, vector<1x16xf32>,
      %swap3A_398 = arith.index_cast %add3A_325 : i32 to index
      %swap3A_399 = arith.constant 112 : index
      %swap3A_400 = tpu.vector_load %arg7[%swap3A_398, %swap3A_399] {strides = array<i32>} : memref<128x128xf32, #tpu.memory_space<vmem>>, vector<1x16xf32>,
      %swap3A_401 = vector.shape_cast %swap3A_400 : vector<1x16xf32> to vector<16xf32>
      %swap3A_402 = vector.shape_cast %scan3A_361#7 : vector<16xf32> to vector<1x16xf32>
      tpu.vector_store %arg7[%swap3A_398, %swap3A_399], %swap3A_402 {strides = array<i32>} : memref<128x128xf32, #tpu.memory_space<vmem>>, vector<1x16xf32>,
      %add3A_403 = arith.constant 3 : i32
      %add3A_404 = arith.addi %add3A_325, %add3A_403 : i32
      %lt3A_405 = arith.constant 128 : i32
      %lt3A_406 = arith.cmpi slt, %add3A_404, %lt3A_405 : i32
      %convert_element_type3A_407 = arith.extui %lt3A_406 : i1 to i32
      %cond3A_408 = arith.constant 0 : i32
      %cond3A_409 = arith.cmpi ne, %convert_element_type3A_407, %cond3A_408 : i32
      scf.if %cond3A_409 {
        %add3A_498 = arith.constant 3 : i32
        %add3A_499 = arith.addi %add3A_325, %add3A_498 : i32
        %mul3A_500 = arith.constant 200 : i32
        %mul3A_501 = arith.muli %add3A_499, %mul3A_500 : i32
        %add3A_502 = arith.constant 0 : i32
        %add3A_503 = arith.addi %mul3A_501, %add3A_502 : i32
        %dma_start3A_504 = arith.constant 1 : i32
        %dma_start3A_505 = arith.constant 0 : i32
        %dma_start3A_506 = arith.constant 0 : i32
        %dma_start3A_507 = tpu.memref_slice %arg6[%dma_start3A_504, %dma_start3A_505, %dma_start3A_506] : memref<3x200x128xf32, #tpu.memory_space<vmem>> -> memref<1x104x128xf32, #tpu.memory_space<vmem>>
        %dma_start3A_508 = tpu.memref_squeeze %dma_start3A_507 : memref<1x104x128xf32, #tpu.memory_space<vmem>> -> memref<104x128xf32, #tpu.memory_space<vmem>>
        %dma_start3A_509 = tpu.memref_slice %arg5[%add3A_503] : memref<25600xi32, #tpu.memory_space<vmem>> -> memref<104xi32, #tpu.memory_space<vmem>>
        %dma_start3A_510 = arith.constant 0 : i32
        %dma_start3A_511 = arith.constant 0 : i32
        %dma_start3A_512 = tpu.memref_slice %arg3[%dma_start3A_510, %dma_start3A_511] : memref<100000x128xf32, #tpu.memory_space<hbm>> -> memref<100000x128xf32, #tpu.memory_space<hbm>>
        tpu.enqueue_indirect_dma source(%dma_start3A_512 : memref<100000x128xf32, #tpu.memory_space<hbm>>) target(%dma_start3A_508 : memref<104x128xf32, #tpu.memory_space<vmem>>) offsets(%dma_start3A_509 : memref<104xi32, #tpu.memory_space<vmem>>) semaphore(%arg8 : memref<!tpu.dma_semaphore, #tpu.memory_space<semaphore_mem>>)
        %mul3A_513 = arith.constant 200 : i32
        %mul3A_514 = arith.muli %add3A_499, %mul3A_513 : i32
        %add3A_515 = arith.constant 104 : i32
        %add3A_516 = arith.addi %mul3A_514, %add3A_515 : i32
        %dma_start3A_517 = arith.constant 1 : i32
        %dma_start3A_518 = arith.constant 104 : i32
        %dma_start3A_519 = arith.constant 0 : i32
        %dma_start3A_520 = tpu.memref_slice %arg6[%dma_start3A_517, %dma_start3A_518, %dma_start3A_519] : memref<3x200x128xf32, #tpu.memory_space<vmem>> -> memref<1x96x128xf32, #tpu.memory_space<vmem>>
        %dma_start3A_521 = tpu.memref_squeeze %dma_start3A_520 : memref<1x96x128xf32, #tpu.memory_space<vmem>> -> memref<96x128xf32, #tpu.memory_space<vmem>>
        %dma_start3A_522 = tpu.memref_slice %arg5[%add3A_516] : memref<25600xi32, #tpu.memory_space<vmem>> -> memref<96xi32, #tpu.memory_space<vmem>>
        %dma_start3A_523 = arith.constant 0 : i32
        %dma_start3A_524 = arith.constant 0 : i32
        %dma_start3A_525 = tpu.memref_slice %arg3[%dma_start3A_523, %dma_start3A_524] : memref<100000x128xf32, #tpu.memory_space<hbm>> -> memref<100000x128xf32, #tpu.memory_space<hbm>>
        tpu.enqueue_indirect_dma source(%dma_start3A_525 : memref<100000x128xf32, #tpu.memory_space<hbm>>) target(%dma_start3A_521 : memref<96x128xf32, #tpu.memory_space<vmem>>) offsets(%dma_start3A_522 : memref<96xi32, #tpu.memory_space<vmem>>) semaphore(%arg8 : memref<!tpu.dma_semaphore, #tpu.memory_space<semaphore_mem>>)
      } else {
      }
      %mul3A_410 = arith.constant 3 : i32
      %mul3A_411 = arith.muli %mul3A_410, %scan3A_236 : i32
      %add3A_412 = arith.constant 2 : i32
      %add3A_413 = arith.addi %mul3A_411, %add3A_412 : i32
      %dma_wait3A_414 = arith.constant 2 : i32
      %dma_wait3A_415 = arith.constant 0 : i32
      %dma_wait3A_416 = arith.constant 0 : i32
      %dma_wait3A_417 = tpu.memref_slice %arg6[%dma_wait3A_414, %dma_wait3A_415, %dma_wait3A_416] : memref<3x200x128xf32, #tpu.memory_space<vmem>> -> memref<1x200x128xf32, #tpu.memory_space<vmem>>
      %dma_wait3A_418 = tpu.memref_squeeze %dma_wait3A_417 : memref<1x200x128xf32, #tpu.memory_space<vmem>> -> memref<200x128xf32, #tpu.memory_space<vmem>>
      %dma_wait3A_419 = arith.constant 0 : i32
      %dma_wait3A_420 = arith.constant 0 : i32
      %dma_wait3A_421 = tpu.memref_slice %arg3[%dma_wait3A_419, %dma_wait3A_420] : memref<100000x128xf32, #tpu.memory_space<hbm>> -> memref<200x128xf32, #tpu.memory_space<hbm>>
      %dma_wait3A_422 = arith.constant 0 : i32
      %dma_wait3A_423 = arith.constant 0 : i32
      %dma_wait3A_424 = tpu.memref_slice %arg6[%dma_wait3A_414, %dma_wait3A_422, %dma_wait3A_423] : memref<3x200x128xf32, #tpu.memory_space<vmem>> -> memref<1x200x128xf32, #tpu.memory_space<vmem>>
      %dma_wait3A_425 = tpu.memref_squeeze %dma_wait3A_424 : memref<1x200x128xf32, #tpu.memory_space<vmem>> -> memref<200x128xf32, #tpu.memory_space<vmem>>
      %dma_wait3A_426 = arith.constant 0 : i32
      %dma_wait3A_427 = arith.constant 0 : i32
      %dma_wait3A_428 = tpu.memref_slice %arg3[%dma_wait3A_426, %dma_wait3A_427] : memref<100000x128xf32, #tpu.memory_space<hbm>> -> memref<200x128xf32, #tpu.memory_space<hbm>>
      tpu.wait_dma2 semaphore(%arg8 : memref<!tpu.dma_semaphore, #tpu.memory_space<semaphore_mem>>) src(%dma_wait3A_428 : memref<200x128xf32, #tpu.memory_space<hbm>>) dst(%dma_wait3A_425 : memref<200x128xf32, #tpu.memory_space<vmem>>)
      %broadcast_in_dim3A_429 = arith.constant 0.000000e+00 : f32
      %broadcast_in_dim3A_430 = vector.broadcast %broadcast_in_dim3A_429 : f32 to vector<16xf32>
      %broadcast_in_dim3A_431 = arith.constant 0.000000e+00 : f32
      %broadcast_in_dim3A_432 = vector.broadcast %broadcast_in_dim3A_431 : f32 to vector<16xf32>
      %broadcast_in_dim3A_433 = arith.constant 0.000000e+00 : f32
      %broadcast_in_dim3A_434 = vector.broadcast %broadcast_in_dim3A_433 : f32 to vector<16xf32>
      %broadcast_in_dim3A_435 = arith.constant 0.000000e+00 : f32
      %broadcast_in_dim3A_436 = vector.broadcast %broadcast_in_dim3A_435 : f32 to vector<16xf32>
      %broadcast_in_dim3A_437 = arith.constant 0.000000e+00 : f32
      %broadcast_in_dim3A_438 = vector.broadcast %broadcast_in_dim3A_437 : f32 to vector<16xf32>
      %broadcast_in_dim3A_439 = arith.constant 0.000000e+00 : f32
      %broadcast_in_dim3A_440 = vector.broadcast %broadcast_in_dim3A_439 : f32 to vector<16xf32>
      %broadcast_in_dim3A_441 = arith.constant 0.000000e+00 : f32
      %broadcast_in_dim3A_442 = vector.broadcast %broadcast_in_dim3A_441 : f32 to vector<16xf32>
      %broadcast_in_dim3A_443 = arith.constant 0.000000e+00 : f32
      %broadcast_in_dim3A_444 = vector.broadcast %broadcast_in_dim3A_443 : f32 to vector<16xf32>
      %scan3A_445 = arith.constant 0 : i32
      %scan3A_446 = arith.constant 200 : i32
      %scan3A_447 = arith.addi %scan3A_445, %scan3A_446 : i32
      %scan3A_448 = arith.constant 1 : i32
      %scan3A_449:8 = scf.for %scan3A_498 = %scan3A_445 to %scan3A_447 step %scan3A_448 iter_args(%scan3A_499 = %broadcast_in_dim3A_430, %scan3A_500 = %broadcast_in_dim3A_432, %scan3A_501 = %broadcast_in_dim3A_434, %scan3A_502 = %broadcast_in_dim3A_436, %scan3A_503 = %broadcast_in_dim3A_438, %scan3A_504 = %broadcast_in_dim3A_440, %scan3A_505 = %broadcast_in_dim3A_442, %scan3A_506 = %broadcast_in_dim3A_444) -> (vector<16xf32>, vector<16xf32>, vector<16xf32>, vector<16xf32>, vector<16xf32>, vector<16xf32>, vector<16xf32>, vector<16xf32>)  : i32 {
        %get3A = arith.constant 2 : i32
        %get3A_507 = arith.index_cast %get3A : i32 to index
        %get3A_508 = arith.index_cast %scan3A_498 : i32 to index
        %get3A_509 = arith.constant 0 : index
        %get3A_510 = tpu.vector_load %arg6[%get3A_507, %get3A_508, %get3A_509] {strides = array<i32>} : memref<3x200x128xf32, #tpu.memory_space<vmem>>, vector<1x1x16xf32>,
        %get3A_511 = vector.shape_cast %get3A_510 : vector<1x1x16xf32> to vector<16xf32>
        %add3A_512 = arith.addf %scan3A_499, %get3A_511 : vector<16xf32>
        %get3A_513 = arith.constant 2 : i32
        %get3A_514 = arith.index_cast %get3A_513 : i32 to index
        %get3A_515 = arith.index_cast %scan3A_498 : i32 to index
        %get3A_516 = arith.constant 16 : index
        %get3A_517 = tpu.vector_load %arg6[%get3A_514, %get3A_515, %get3A_516] {strides = array<i32>} : memref<3x200x128xf32, #tpu.memory_space<vmem>>, vector<1x1x16xf32>,
        %get3A_518 = vector.shape_cast %get3A_517 : vector<1x1x16xf32> to vector<16xf32>
        %add3A_519 = arith.addf %scan3A_500, %get3A_518 : vector<16xf32>
        %get3A_520 = arith.constant 2 : i32
        %get3A_521 = arith.index_cast %get3A_520 : i32 to index
        %get3A_522 = arith.index_cast %scan3A_498 : i32 to index
        %get3A_523 = arith.constant 32 : index
        %get3A_524 = tpu.vector_load %arg6[%get3A_521, %get3A_522, %get3A_523] {strides = array<i32>} : memref<3x200x128xf32, #tpu.memory_space<vmem>>, vector<1x1x16xf32>,
        %get3A_525 = vector.shape_cast %get3A_524 : vector<1x1x16xf32> to vector<16xf32>
        %add3A_526 = arith.addf %scan3A_501, %get3A_525 : vector<16xf32>
        %get3A_527 = arith.constant 2 : i32
        %get3A_528 = arith.index_cast %get3A_527 : i32 to index
        %get3A_529 = arith.index_cast %scan3A_498 : i32 to index
        %get3A_530 = arith.constant 48 : index
        %get3A_531 = tpu.vector_load %arg6[%get3A_528, %get3A_529, %get3A_530] {strides = array<i32>} : memref<3x200x128xf32, #tpu.memory_space<vmem>>, vector<1x1x16xf32>,
        %get3A_532 = vector.shape_cast %get3A_531 : vector<1x1x16xf32> to vector<16xf32>
        %add3A_533 = arith.addf %scan3A_502, %get3A_532 : vector<16xf32>
        %get3A_534 = arith.constant 2 : i32
        %get3A_535 = arith.index_cast %get3A_534 : i32 to index
        %get3A_536 = arith.index_cast %scan3A_498 : i32 to index
        %get3A_537 = arith.constant 64 : index
        %get3A_538 = tpu.vector_load %arg6[%get3A_535, %get3A_536, %get3A_537] {strides = array<i32>} : memref<3x200x128xf32, #tpu.memory_space<vmem>>, vector<1x1x16xf32>,
        %get3A_539 = vector.shape_cast %get3A_538 : vector<1x1x16xf32> to vector<16xf32>
        %add3A_540 = arith.addf %scan3A_503, %get3A_539 : vector<16xf32>
        %get3A_541 = arith.constant 2 : i32
        %get3A_542 = arith.index_cast %get3A_541 : i32 to index
        %get3A_543 = arith.index_cast %scan3A_498 : i32 to index
        %get3A_544 = arith.constant 80 : index
        %get3A_545 = tpu.vector_load %arg6[%get3A_542, %get3A_543, %get3A_544] {strides = array<i32>} : memref<3x200x128xf32, #tpu.memory_space<vmem>>, vector<1x1x16xf32>,
        %get3A_546 = vector.shape_cast %get3A_545 : vector<1x1x16xf32> to vector<16xf32>
        %add3A_547 = arith.addf %scan3A_504, %get3A_546 : vector<16xf32>
        %get3A_548 = arith.constant 2 : i32
        %get3A_549 = arith.index_cast %get3A_548 : i32 to index
        %get3A_550 = arith.index_cast %scan3A_498 : i32 to index
        %get3A_551 = arith.constant 96 : index
        %get3A_552 = tpu.vector_load %arg6[%get3A_549, %get3A_550, %get3A_551] {strides = array<i32>} : memref<3x200x128xf32, #tpu.memory_space<vmem>>, vector<1x1x16xf32>,
        %get3A_553 = vector.shape_cast %get3A_552 : vector<1x1x16xf32> to vector<16xf32>
        %add3A_554 = arith.addf %scan3A_505, %get3A_553 : vector<16xf32>
        %get3A_555 = arith.constant 2 : i32
        %get3A_556 = arith.index_cast %get3A_555 : i32 to index
        %get3A_557 = arith.index_cast %scan3A_498 : i32 to index
        %get3A_558 = arith.constant 112 : index
        %get3A_559 = tpu.vector_load %arg6[%get3A_556, %get3A_557, %get3A_558] {strides = array<i32>} : memref<3x200x128xf32, #tpu.memory_space<vmem>>, vector<1x1x16xf32>,
        %get3A_560 = vector.shape_cast %get3A_559 : vector<1x1x16xf32> to vector<16xf32>
        %add3A_561 = arith.addf %scan3A_506, %get3A_560 : vector<16xf32>
        scf.yield %add3A_512, %add3A_519, %add3A_526, %add3A_533, %add3A_540, %add3A_547, %add3A_554, %add3A_561 : vector<16xf32>, vector<16xf32>, vector<16xf32>, vector<16xf32>, vector<16xf32>, vector<16xf32>, vector<16xf32>, vector<16xf32>
      }
      %scan3A_450 = arith.constant 200 : i32
      %swap3A_451 = arith.index_cast %add3A_413 : i32 to index
      %swap3A_452 = arith.constant 0 : index
      %swap3A_453 = tpu.vector_load %arg7[%swap3A_451, %swap3A_452] {strides = array<i32>} : memref<128x128xf32, #tpu.memory_space<vmem>>, vector<1x16xf32>,
      %swap3A_454 = vector.shape_cast %swap3A_453 : vector<1x16xf32> to vector<16xf32>
      %swap3A_455 = vector.shape_cast %scan3A_449#0 : vector<16xf32> to vector<1x16xf32>
      tpu.vector_store %arg7[%swap3A_451, %swap3A_452], %swap3A_455 {strides = array<i32>} : memref<128x128xf32, #tpu.memory_space<vmem>>, vector<1x16xf32>,
      %swap3A_456 = arith.index_cast %add3A_413 : i32 to index
      %swap3A_457 = arith.constant 16 : index
      %swap3A_458 = tpu.vector_load %arg7[%swap3A_456, %swap3A_457] {strides = array<i32>} : memref<128x128xf32, #tpu.memory_space<vmem>>, vector<1x16xf32>,
      %swap3A_459 = vector.shape_cast %swap3A_458 : vector<1x16xf32> to vector<16xf32>
      %swap3A_460 = vector.shape_cast %scan3A_449#1 : vector<16xf32> to vector<1x16xf32>
      tpu.vector_store %arg7[%swap3A_456, %swap3A_457], %swap3A_460 {strides = array<i32>} : memref<128x128xf32, #tpu.memory_space<vmem>>, vector<1x16xf32>,
      %swap3A_461 = arith.index_cast %add3A_413 : i32 to index
      %swap3A_462 = arith.constant 32 : index
      %swap3A_463 = tpu.vector_load %arg7[%swap3A_461, %swap3A_462] {strides = array<i32>} : memref<128x128xf32, #tpu.memory_space<vmem>>, vector<1x16xf32>,
      %swap3A_464 = vector.shape_cast %swap3A_463 : vector<1x16xf32> to vector<16xf32>
      %swap3A_465 = vector.shape_cast %scan3A_449#2 : vector<16xf32> to vector<1x16xf32>
      tpu.vector_store %arg7[%swap3A_461, %swap3A_462], %swap3A_465 {strides = array<i32>} : memref<128x128xf32, #tpu.memory_space<vmem>>, vector<1x16xf32>,
      %swap3A_466 = arith.index_cast %add3A_413 : i32 to index
      %swap3A_467 = arith.constant 48 : index
      %swap3A_468 = tpu.vector_load %arg7[%swap3A_466, %swap3A_467] {strides = array<i32>} : memref<128x128xf32, #tpu.memory_space<vmem>>, vector<1x16xf32>,
      %swap3A_469 = vector.shape_cast %swap3A_468 : vector<1x16xf32> to vector<16xf32>
      %swap3A_470 = vector.shape_cast %scan3A_449#3 : vector<16xf32> to vector<1x16xf32>
      tpu.vector_store %arg7[%swap3A_466, %swap3A_467], %swap3A_470 {strides = array<i32>} : memref<128x128xf32, #tpu.memory_space<vmem>>, vector<1x16xf32>,
      %swap3A_471 = arith.index_cast %add3A_413 : i32 to index
      %swap3A_472 = arith.constant 64 : index
      %swap3A_473 = tpu.vector_load %arg7[%swap3A_471, %swap3A_472] {strides = array<i32>} : memref<128x128xf32, #tpu.memory_space<vmem>>, vector<1x16xf32>,
      %swap3A_474 = vector.shape_cast %swap3A_473 : vector<1x16xf32> to vector<16xf32>
      %swap3A_475 = vector.shape_cast %scan3A_449#4 : vector<16xf32> to vector<1x16xf32>
      tpu.vector_store %arg7[%swap3A_471, %swap3A_472], %swap3A_475 {strides = array<i32>} : memref<128x128xf32, #tpu.memory_space<vmem>>, vector<1x16xf32>,
      %swap3A_476 = arith.index_cast %add3A_413 : i32 to index
      %swap3A_477 = arith.constant 80 : index
      %swap3A_478 = tpu.vector_load %arg7[%swap3A_476, %swap3A_477] {strides = array<i32>} : memref<128x128xf32, #tpu.memory_space<vmem>>, vector<1x16xf32>,
      %swap3A_479 = vector.shape_cast %swap3A_478 : vector<1x16xf32> to vector<16xf32>
      %swap3A_480 = vector.shape_cast %scan3A_449#5 : vector<16xf32> to vector<1x16xf32>
      tpu.vector_store %arg7[%swap3A_476, %swap3A_477], %swap3A_480 {strides = array<i32>} : memref<128x128xf32, #tpu.memory_space<vmem>>, vector<1x16xf32>,
      %swap3A_481 = arith.index_cast %add3A_413 : i32 to index
      %swap3A_482 = arith.constant 96 : index
      %swap3A_483 = tpu.vector_load %arg7[%swap3A_481, %swap3A_482] {strides = array<i32>} : memref<128x128xf32, #tpu.memory_space<vmem>>, vector<1x16xf32>,
      %swap3A_484 = vector.shape_cast %swap3A_483 : vector<1x16xf32> to vector<16xf32>
      %swap3A_485 = vector.shape_cast %scan3A_449#6 : vector<16xf32> to vector<1x16xf32>
      tpu.vector_store %arg7[%swap3A_481, %swap3A_482], %swap3A_485 {strides = array<i32>} : memref<128x128xf32, #tpu.memory_space<vmem>>, vector<1x16xf32>,
      %swap3A_486 = arith.index_cast %add3A_413 : i32 to index
      %swap3A_487 = arith.constant 112 : index
      %swap3A_488 = tpu.vector_load %arg7[%swap3A_486, %swap3A_487] {strides = array<i32>} : memref<128x128xf32, #tpu.memory_space<vmem>>, vector<1x16xf32>,
      %swap3A_489 = vector.shape_cast %swap3A_488 : vector<1x16xf32> to vector<16xf32>
      %swap3A_490 = vector.shape_cast %scan3A_449#7 : vector<16xf32> to vector<1x16xf32>
      tpu.vector_store %arg7[%swap3A_486, %swap3A_487], %swap3A_490 {strides = array<i32>} : memref<128x128xf32, #tpu.memory_space<vmem>>, vector<1x16xf32>,
      %add3A_491 = arith.constant 3 : i32
      %add3A_492 = arith.addi %add3A_413, %add3A_491 : i32
      %lt3A_493 = arith.constant 128 : i32
      %lt3A_494 = arith.cmpi slt, %add3A_492, %lt3A_493 : i32
      %convert_element_type3A_495 = arith.extui %lt3A_494 : i1 to i32
      %cond3A_496 = arith.constant 0 : i32
      %cond3A_497 = arith.cmpi ne, %convert_element_type3A_495, %cond3A_496 : i32
      scf.if %cond3A_497 {
        %add3A_498 = arith.constant 3 : i32
        %add3A_499 = arith.addi %add3A_413, %add3A_498 : i32
        %mul3A_500 = arith.constant 200 : i32
        %mul3A_501 = arith.muli %add3A_499, %mul3A_500 : i32
        %add3A_502 = arith.constant 0 : i32
        %add3A_503 = arith.addi %mul3A_501, %add3A_502 : i32
        %dma_start3A_504 = arith.constant 2 : i32
        %dma_start3A_505 = arith.constant 0 : i32
        %dma_start3A_506 = arith.constant 0 : i32
        %dma_start3A_507 = tpu.memref_slice %arg6[%dma_start3A_504, %dma_start3A_505, %dma_start3A_506] : memref<3x200x128xf32, #tpu.memory_space<vmem>> -> memref<1x104x128xf32, #tpu.memory_space<vmem>>
        %dma_start3A_508 = tpu.memref_squeeze %dma_start3A_507 : memref<1x104x128xf32, #tpu.memory_space<vmem>> -> memref<104x128xf32, #tpu.memory_space<vmem>>
        %dma_start3A_509 = tpu.memref_slice %arg5[%add3A_503] : memref<25600xi32, #tpu.memory_space<vmem>> -> memref<104xi32, #tpu.memory_space<vmem>>
        %dma_start3A_510 = arith.constant 0 : i32
        %dma_start3A_511 = arith.constant 0 : i32
        %dma_start3A_512 = tpu.memref_slice %arg3[%dma_start3A_510, %dma_start3A_511] : memref<100000x128xf32, #tpu.memory_space<hbm>> -> memref<100000x128xf32, #tpu.memory_space<hbm>>
        tpu.enqueue_indirect_dma source(%dma_start3A_512 : memref<100000x128xf32, #tpu.memory_space<hbm>>) target(%dma_start3A_508 : memref<104x128xf32, #tpu.memory_space<vmem>>) offsets(%dma_start3A_509 : memref<104xi32, #tpu.memory_space<vmem>>) semaphore(%arg8 : memref<!tpu.dma_semaphore, #tpu.memory_space<semaphore_mem>>)
        %mul3A_513 = arith.constant 200 : i32
        %mul3A_514 = arith.muli %add3A_499, %mul3A_513 : i32
        %add3A_515 = arith.constant 104 : i32
        %add3A_516 = arith.addi %mul3A_514, %add3A_515 : i32
        %dma_start3A_517 = arith.constant 2 : i32
        %dma_start3A_518 = arith.constant 104 : i32
        %dma_start3A_519 = arith.constant 0 : i32
        %dma_start3A_520 = tpu.memref_slice %arg6[%dma_start3A_517, %dma_start3A_518, %dma_start3A_519] : memref<3x200x128xf32, #tpu.memory_space<vmem>> -> memref<1x96x128xf32, #tpu.memory_space<vmem>>
        %dma_start3A_521 = tpu.memref_squeeze %dma_start3A_520 : memref<1x96x128xf32, #tpu.memory_space<vmem>> -> memref<96x128xf32, #tpu.memory_space<vmem>>
        %dma_start3A_522 = tpu.memref_slice %arg5[%add3A_516] : memref<25600xi32, #tpu.memory_space<vmem>> -> memref<96xi32, #tpu.memory_space<vmem>>
        %dma_start3A_523 = arith.constant 0 : i32
        %dma_start3A_524 = arith.constant 0 : i32
        %dma_start3A_525 = tpu.memref_slice %arg3[%dma_start3A_523, %dma_start3A_524] : memref<100000x128xf32, #tpu.memory_space<hbm>> -> memref<100000x128xf32, #tpu.memory_space<hbm>>
        tpu.enqueue_indirect_dma source(%dma_start3A_525 : memref<100000x128xf32, #tpu.memory_space<hbm>>) target(%dma_start3A_521 : memref<96x128xf32, #tpu.memory_space<vmem>>) offsets(%dma_start3A_522 : memref<96xi32, #tpu.memory_space<vmem>>) semaphore(%arg8 : memref<!tpu.dma_semaphore, #tpu.memory_space<semaphore_mem>>)
      } else {
      }
    }
    %scan3A_68 = arith.constant 42 : i32
    %dma_wait3A = arith.constant 0 : i32
    %dma_wait3A_69 = arith.constant 0 : i32
    %dma_wait3A_70 = arith.constant 0 : i32
    %dma_wait3A_71 = tpu.memref_slice %arg6[%dma_wait3A, %dma_wait3A_69, %dma_wait3A_70] : memref<3x200x128xf32, #tpu.memory_space<vmem>> -> memref<1x200x128xf32, #tpu.memory_space<vmem>>
    %dma_wait3A_72 = tpu.memref_squeeze %dma_wait3A_71 : memref<1x200x128xf32, #tpu.memory_space<vmem>> -> memref<200x128xf32, #tpu.memory_space<vmem>>
    %dma_wait3A_73 = arith.constant 0 : i32
    %dma_wait3A_74 = arith.constant 0 : i32
    %dma_wait3A_75 = tpu.memref_slice %arg3[%dma_wait3A_73, %dma_wait3A_74] : memref<100000x128xf32, #tpu.memory_space<hbm>> -> memref<200x128xf32, #tpu.memory_space<hbm>>
    %dma_wait3A_76 = arith.constant 0 : i32
    %dma_wait3A_77 = arith.constant 0 : i32
    %dma_wait3A_78 = tpu.memref_slice %arg6[%dma_wait3A, %dma_wait3A_76, %dma_wait3A_77] : memref<3x200x128xf32, #tpu.memory_space<vmem>> -> memref<1x200x128xf32, #tpu.memory_space<vmem>>
    %dma_wait3A_79 = tpu.memref_squeeze %dma_wait3A_78 : memref<1x200x128xf32, #tpu.memory_space<vmem>> -> memref<200x128xf32, #tpu.memory_space<vmem>>
    %dma_wait3A_80 = arith.constant 0 : i32
    %dma_wait3A_81 = arith.constant 0 : i32
    %dma_wait3A_82 = tpu.memref_slice %arg3[%dma_wait3A_80, %dma_wait3A_81] : memref<100000x128xf32, #tpu.memory_space<hbm>> -> memref<200x128xf32, #tpu.memory_space<hbm>>
    tpu.wait_dma2 semaphore(%arg8 : memref<!tpu.dma_semaphore, #tpu.memory_space<semaphore_mem>>) src(%dma_wait3A_82 : memref<200x128xf32, #tpu.memory_space<hbm>>) dst(%dma_wait3A_79 : memref<200x128xf32, #tpu.memory_space<vmem>>)
    %broadcast_in_dim3A = arith.constant 0.000000e+00 : f32
    %broadcast_in_dim3A_83 = vector.broadcast %broadcast_in_dim3A : f32 to vector<16xf32>
    %broadcast_in_dim3A_84 = arith.constant 0.000000e+00 : f32
    %broadcast_in_dim3A_85 = vector.broadcast %broadcast_in_dim3A_84 : f32 to vector<16xf32>
    %broadcast_in_dim3A_86 = arith.constant 0.000000e+00 : f32
    %broadcast_in_dim3A_87 = vector.broadcast %broadcast_in_dim3A_86 : f32 to vector<16xf32>
    %broadcast_in_dim3A_88 = arith.constant 0.000000e+00 : f32
    %broadcast_in_dim3A_89 = vector.broadcast %broadcast_in_dim3A_88 : f32 to vector<16xf32>
    %broadcast_in_dim3A_90 = arith.constant 0.000000e+00 : f32
    %broadcast_in_dim3A_91 = vector.broadcast %broadcast_in_dim3A_90 : f32 to vector<16xf32>
    %broadcast_in_dim3A_92 = arith.constant 0.000000e+00 : f32
    %broadcast_in_dim3A_93 = vector.broadcast %broadcast_in_dim3A_92 : f32 to vector<16xf32>
    %broadcast_in_dim3A_94 = arith.constant 0.000000e+00 : f32
    %broadcast_in_dim3A_95 = vector.broadcast %broadcast_in_dim3A_94 : f32 to vector<16xf32>
    %broadcast_in_dim3A_96 = arith.constant 0.000000e+00 : f32
    %broadcast_in_dim3A_97 = vector.broadcast %broadcast_in_dim3A_96 : f32 to vector<16xf32>
    %scan3A_98 = arith.constant 0 : i32
    %scan3A_99 = arith.constant 200 : i32
    %scan3A_100 = arith.addi %scan3A_98, %scan3A_99 : i32
    %scan3A_101 = arith.constant 1 : i32
    %scan3A_102:8 = scf.for %scan3A_236 = %scan3A_98 to %scan3A_100 step %scan3A_101 iter_args(%scan3A_237 = %broadcast_in_dim3A_83, %scan3A_238 = %broadcast_in_dim3A_85, %scan3A_239 = %broadcast_in_dim3A_87, %scan3A_240 = %broadcast_in_dim3A_89, %scan3A_241 = %broadcast_in_dim3A_91, %scan3A_242 = %broadcast_in_dim3A_93, %scan3A_243 = %broadcast_in_dim3A_95, %scan3A_244 = %broadcast_in_dim3A_97) -> (vector<16xf32>, vector<16xf32>, vector<16xf32>, vector<16xf32>, vector<16xf32>, vector<16xf32>, vector<16xf32>, vector<16xf32>)  : i32 {
      %get3A = arith.constant 0 : i32
      %get3A_245 = arith.index_cast %get3A : i32 to index
      %get3A_246 = arith.index_cast %scan3A_236 : i32 to index
      %get3A_247 = arith.constant 0 : index
      %get3A_248 = tpu.vector_load %arg6[%get3A_245, %get3A_246, %get3A_247] {strides = array<i32>} : memref<3x200x128xf32, #tpu.memory_space<vmem>>, vector<1x1x16xf32>,
      %get3A_249 = vector.shape_cast %get3A_248 : vector<1x1x16xf32> to vector<16xf32>
      %add3A_250 = arith.addf %scan3A_237, %get3A_249 : vector<16xf32>
      %get3A_251 = arith.constant 0 : i32
      %get3A_252 = arith.index_cast %get3A_251 : i32 to index
      %get3A_253 = arith.index_cast %scan3A_236 : i32 to index
      %get3A_254 = arith.constant 16 : index
      %get3A_255 = tpu.vector_load %arg6[%get3A_252, %get3A_253, %get3A_254] {strides = array<i32>} : memref<3x200x128xf32, #tpu.memory_space<vmem>>, vector<1x1x16xf32>,
      %get3A_256 = vector.shape_cast %get3A_255 : vector<1x1x16xf32> to vector<16xf32>
      %add3A_257 = arith.addf %scan3A_238, %get3A_256 : vector<16xf32>
      %get3A_258 = arith.constant 0 : i32
      %get3A_259 = arith.index_cast %get3A_258 : i32 to index
      %get3A_260 = arith.index_cast %scan3A_236 : i32 to index
      %get3A_261 = arith.constant 32 : index
      %get3A_262 = tpu.vector_load %arg6[%get3A_259, %get3A_260, %get3A_261] {strides = array<i32>} : memref<3x200x128xf32, #tpu.memory_space<vmem>>, vector<1x1x16xf32>,
      %get3A_263 = vector.shape_cast %get3A_262 : vector<1x1x16xf32> to vector<16xf32>
      %add3A_264 = arith.addf %scan3A_239, %get3A_263 : vector<16xf32>
      %get3A_265 = arith.constant 0 : i32
      %get3A_266 = arith.index_cast %get3A_265 : i32 to index
      %get3A_267 = arith.index_cast %scan3A_236 : i32 to index
      %get3A_268 = arith.constant 48 : index
      %get3A_269 = tpu.vector_load %arg6[%get3A_266, %get3A_267, %get3A_268] {strides = array<i32>} : memref<3x200x128xf32, #tpu.memory_space<vmem>>, vector<1x1x16xf32>,
      %get3A_270 = vector.shape_cast %get3A_269 : vector<1x1x16xf32> to vector<16xf32>
      %add3A_271 = arith.addf %scan3A_240, %get3A_270 : vector<16xf32>
      %get3A_272 = arith.constant 0 : i32
      %get3A_273 = arith.index_cast %get3A_272 : i32 to index
      %get3A_274 = arith.index_cast %scan3A_236 : i32 to index
      %get3A_275 = arith.constant 64 : index
      %get3A_276 = tpu.vector_load %arg6[%get3A_273, %get3A_274, %get3A_275] {strides = array<i32>} : memref<3x200x128xf32, #tpu.memory_space<vmem>>, vector<1x1x16xf32>,
      %get3A_277 = vector.shape_cast %get3A_276 : vector<1x1x16xf32> to vector<16xf32>
      %add3A_278 = arith.addf %scan3A_241, %get3A_277 : vector<16xf32>
      %get3A_279 = arith.constant 0 : i32
      %get3A_280 = arith.index_cast %get3A_279 : i32 to index
      %get3A_281 = arith.index_cast %scan3A_236 : i32 to index
      %get3A_282 = arith.constant 80 : index
      %get3A_283 = tpu.vector_load %arg6[%get3A_280, %get3A_281, %get3A_282] {strides = array<i32>} : memref<3x200x128xf32, #tpu.memory_space<vmem>>, vector<1x1x16xf32>,
      %get3A_284 = vector.shape_cast %get3A_283 : vector<1x1x16xf32> to vector<16xf32>
      %add3A_285 = arith.addf %scan3A_242, %get3A_284 : vector<16xf32>
      %get3A_286 = arith.constant 0 : i32
      %get3A_287 = arith.index_cast %get3A_286 : i32 to index
      %get3A_288 = arith.index_cast %scan3A_236 : i32 to index
      %get3A_289 = arith.constant 96 : index
      %get3A_290 = tpu.vector_load %arg6[%get3A_287, %get3A_288, %get3A_289] {strides = array<i32>} : memref<3x200x128xf32, #tpu.memory_space<vmem>>, vector<1x1x16xf32>,
      %get3A_291 = vector.shape_cast %get3A_290 : vector<1x1x16xf32> to vector<16xf32>
      %add3A_292 = arith.addf %scan3A_243, %get3A_291 : vector<16xf32>
      %get3A_293 = arith.constant 0 : i32
      %get3A_294 = arith.index_cast %get3A_293 : i32 to index
      %get3A_295 = arith.index_cast %scan3A_236 : i32 to index
      %get3A_296 = arith.constant 112 : index
      %get3A_297 = tpu.vector_load %arg6[%get3A_294, %get3A_295, %get3A_296] {strides = array<i32>} : memref<3x200x128xf32, #tpu.memory_space<vmem>>, vector<1x1x16xf32>,
      %get3A_298 = vector.shape_cast %get3A_297 : vector<1x1x16xf32> to vector<16xf32>
      %add3A_299 = arith.addf %scan3A_244, %get3A_298 : vector<16xf32>
      scf.yield %add3A_250, %add3A_257, %add3A_264, %add3A_271, %add3A_278, %add3A_285, %add3A_292, %add3A_299 : vector<16xf32>, vector<16xf32>, vector<16xf32>, vector<16xf32>, vector<16xf32>, vector<16xf32>, vector<16xf32>, vector<16xf32>
    }
    %scan3A_103 = arith.constant 200 : i32
    %swap3A = arith.constant 126 : i32
    %swap3A_104 = arith.index_cast %swap3A : i32 to index
    %swap3A_105 = arith.constant 0 : index
    %swap3A_106 = tpu.vector_load %arg7[%swap3A_104, %swap3A_105] {strides = array<i32>} : memref<128x128xf32, #tpu.memory_space<vmem>>, vector<1x16xf32>,
    %swap3A_107 = vector.shape_cast %swap3A_106 : vector<1x16xf32> to vector<16xf32>
    %swap3A_108 = vector.shape_cast %scan3A_102#0 : vector<16xf32> to vector<1x16xf32>
    tpu.vector_store %arg7[%swap3A_104, %swap3A_105], %swap3A_108 {strides = array<i32>} : memref<128x128xf32, #tpu.memory_space<vmem>>, vector<1x16xf32>,
    %swap3A_109 = arith.constant 126 : i32
    %swap3A_110 = arith.index_cast %swap3A_109 : i32 to index
    %swap3A_111 = arith.constant 16 : index
    %swap3A_112 = tpu.vector_load %arg7[%swap3A_110, %swap3A_111] {strides = array<i32>} : memref<128x128xf32, #tpu.memory_space<vmem>>, vector<1x16xf32>,
    %swap3A_113 = vector.shape_cast %swap3A_112 : vector<1x16xf32> to vector<16xf32>
    %swap3A_114 = vector.shape_cast %scan3A_102#1 : vector<16xf32> to vector<1x16xf32>
    tpu.vector_store %arg7[%swap3A_110, %swap3A_111], %swap3A_114 {strides = array<i32>} : memref<128x128xf32, #tpu.memory_space<vmem>>, vector<1x16xf32>,
    %swap3A_115 = arith.constant 126 : i32
    %swap3A_116 = arith.index_cast %swap3A_115 : i32 to index
    %swap3A_117 = arith.constant 32 : index
    %swap3A_118 = tpu.vector_load %arg7[%swap3A_116, %swap3A_117] {strides = array<i32>} : memref<128x128xf32, #tpu.memory_space<vmem>>, vector<1x16xf32>,
    %swap3A_119 = vector.shape_cast %swap3A_118 : vector<1x16xf32> to vector<16xf32>
    %swap3A_120 = vector.shape_cast %scan3A_102#2 : vector<16xf32> to vector<1x16xf32>
    tpu.vector_store %arg7[%swap3A_116, %swap3A_117], %swap3A_120 {strides = array<i32>} : memref<128x128xf32, #tpu.memory_space<vmem>>, vector<1x16xf32>,
    %swap3A_121 = arith.constant 126 : i32
    %swap3A_122 = arith.index_cast %swap3A_121 : i32 to index
    %swap3A_123 = arith.constant 48 : index
    %swap3A_124 = tpu.vector_load %arg7[%swap3A_122, %swap3A_123] {strides = array<i32>} : memref<128x128xf32, #tpu.memory_space<vmem>>, vector<1x16xf32>,
    %swap3A_125 = vector.shape_cast %swap3A_124 : vector<1x16xf32> to vector<16xf32>
    %swap3A_126 = vector.shape_cast %scan3A_102#3 : vector<16xf32> to vector<1x16xf32>
    tpu.vector_store %arg7[%swap3A_122, %swap3A_123], %swap3A_126 {strides = array<i32>} : memref<128x128xf32, #tpu.memory_space<vmem>>, vector<1x16xf32>,
    %swap3A_127 = arith.constant 126 : i32
    %swap3A_128 = arith.index_cast %swap3A_127 : i32 to index
    %swap3A_129 = arith.constant 64 : index
    %swap3A_130 = tpu.vector_load %arg7[%swap3A_128, %swap3A_129] {strides = array<i32>} : memref<128x128xf32, #tpu.memory_space<vmem>>, vector<1x16xf32>,
    %swap3A_131 = vector.shape_cast %swap3A_130 : vector<1x16xf32> to vector<16xf32>
    %swap3A_132 = vector.shape_cast %scan3A_102#4 : vector<16xf32> to vector<1x16xf32>
    tpu.vector_store %arg7[%swap3A_128, %swap3A_129], %swap3A_132 {strides = array<i32>} : memref<128x128xf32, #tpu.memory_space<vmem>>, vector<1x16xf32>,
    %swap3A_133 = arith.constant 126 : i32
    %swap3A_134 = arith.index_cast %swap3A_133 : i32 to index
    %swap3A_135 = arith.constant 80 : index
    %swap3A_136 = tpu.vector_load %arg7[%swap3A_134, %swap3A_135] {strides = array<i32>} : memref<128x128xf32, #tpu.memory_space<vmem>>, vector<1x16xf32>,
    %swap3A_137 = vector.shape_cast %swap3A_136 : vector<1x16xf32> to vector<16xf32>
    %swap3A_138 = vector.shape_cast %scan3A_102#5 : vector<16xf32> to vector<1x16xf32>
    tpu.vector_store %arg7[%swap3A_134, %swap3A_135], %swap3A_138 {strides = array<i32>} : memref<128x128xf32, #tpu.memory_space<vmem>>, vector<1x16xf32>,
    %swap3A_139 = arith.constant 126 : i32
    %swap3A_140 = arith.index_cast %swap3A_139 : i32 to index
    %swap3A_141 = arith.constant 96 : index
    %swap3A_142 = tpu.vector_load %arg7[%swap3A_140, %swap3A_141] {strides = array<i32>} : memref<128x128xf32, #tpu.memory_space<vmem>>, vector<1x16xf32>,
    %swap3A_143 = vector.shape_cast %swap3A_142 : vector<1x16xf32> to vector<16xf32>
    %swap3A_144 = vector.shape_cast %scan3A_102#6 : vector<16xf32> to vector<1x16xf32>
    tpu.vector_store %arg7[%swap3A_140, %swap3A_141], %swap3A_144 {strides = array<i32>} : memref<128x128xf32, #tpu.memory_space<vmem>>, vector<1x16xf32>,
    %swap3A_145 = arith.constant 126 : i32
    %swap3A_146 = arith.index_cast %swap3A_145 : i32 to index
    %swap3A_147 = arith.constant 112 : index
    %swap3A_148 = tpu.vector_load %arg7[%swap3A_146, %swap3A_147] {strides = array<i32>} : memref<128x128xf32, #tpu.memory_space<vmem>>, vector<1x16xf32>,
    %swap3A_149 = vector.shape_cast %swap3A_148 : vector<1x16xf32> to vector<16xf32>
    %swap3A_150 = vector.shape_cast %scan3A_102#7 : vector<16xf32> to vector<1x16xf32>
    tpu.vector_store %arg7[%swap3A_146, %swap3A_147], %swap3A_150 {strides = array<i32>} : memref<128x128xf32, #tpu.memory_space<vmem>>, vector<1x16xf32>,
    %dma_wait3A_151 = arith.constant 1 : i32
    %dma_wait3A_152 = arith.constant 0 : i32
    %dma_wait3A_153 = arith.constant 0 : i32
    %dma_wait3A_154 = tpu.memref_slice %arg6[%dma_wait3A_151, %dma_wait3A_152, %dma_wait3A_153] : memref<3x200x128xf32, #tpu.memory_space<vmem>> -> memref<1x200x128xf32, #tpu.memory_space<vmem>>
    %dma_wait3A_155 = tpu.memref_squeeze %dma_wait3A_154 : memref<1x200x128xf32, #tpu.memory_space<vmem>> -> memref<200x128xf32, #tpu.memory_space<vmem>>
    %dma_wait3A_156 = arith.constant 0 : i32
    %dma_wait3A_157 = arith.constant 0 : i32
    %dma_wait3A_158 = tpu.memref_slice %arg3[%dma_wait3A_156, %dma_wait3A_157] : memref<100000x128xf32, #tpu.memory_space<hbm>> -> memref<200x128xf32, #tpu.memory_space<hbm>>
    %dma_wait3A_159 = arith.constant 0 : i32
    %dma_wait3A_160 = arith.constant 0 : i32
    %dma_wait3A_161 = tpu.memref_slice %arg6[%dma_wait3A_151, %dma_wait3A_159, %dma_wait3A_160] : memref<3x200x128xf32, #tpu.memory_space<vmem>> -> memref<1x200x128xf32, #tpu.memory_space<vmem>>
    %dma_wait3A_162 = tpu.memref_squeeze %dma_wait3A_161 : memref<1x200x128xf32, #tpu.memory_space<vmem>> -> memref<200x128xf32, #tpu.memory_space<vmem>>
    %dma_wait3A_163 = arith.constant 0 : i32
    %dma_wait3A_164 = arith.constant 0 : i32
    %dma_wait3A_165 = tpu.memref_slice %arg3[%dma_wait3A_163, %dma_wait3A_164] : memref<100000x128xf32, #tpu.memory_space<hbm>> -> memref<200x128xf32, #tpu.memory_space<hbm>>
    tpu.wait_dma2 semaphore(%arg8 : memref<!tpu.dma_semaphore, #tpu.memory_space<semaphore_mem>>) src(%dma_wait3A_165 : memref<200x128xf32, #tpu.memory_space<hbm>>) dst(%dma_wait3A_162 : memref<200x128xf32, #tpu.memory_space<vmem>>)
    %broadcast_in_dim3A_166 = arith.constant 0.000000e+00 : f32
    %broadcast_in_dim3A_167 = vector.broadcast %broadcast_in_dim3A_166 : f32 to vector<16xf32>
    %broadcast_in_dim3A_168 = arith.constant 0.000000e+00 : f32
    %broadcast_in_dim3A_169 = vector.broadcast %broadcast_in_dim3A_168 : f32 to vector<16xf32>
    %broadcast_in_dim3A_170 = arith.constant 0.000000e+00 : f32
    %broadcast_in_dim3A_171 = vector.broadcast %broadcast_in_dim3A_170 : f32 to vector<16xf32>
    %broadcast_in_dim3A_172 = arith.constant 0.000000e+00 : f32
    %broadcast_in_dim3A_173 = vector.broadcast %broadcast_in_dim3A_172 : f32 to vector<16xf32>
    %broadcast_in_dim3A_174 = arith.constant 0.000000e+00 : f32
    %broadcast_in_dim3A_175 = vector.broadcast %broadcast_in_dim3A_174 : f32 to vector<16xf32>
    %broadcast_in_dim3A_176 = arith.constant 0.000000e+00 : f32
    %broadcast_in_dim3A_177 = vector.broadcast %broadcast_in_dim3A_176 : f32 to vector<16xf32>
    %broadcast_in_dim3A_178 = arith.constant 0.000000e+00 : f32
    %broadcast_in_dim3A_179 = vector.broadcast %broadcast_in_dim3A_178 : f32 to vector<16xf32>
    %broadcast_in_dim3A_180 = arith.constant 0.000000e+00 : f32
    %broadcast_in_dim3A_181 = vector.broadcast %broadcast_in_dim3A_180 : f32 to vector<16xf32>
    %scan3A_182 = arith.constant 0 : i32
    %scan3A_183 = arith.constant 200 : i32
    %scan3A_184 = arith.addi %scan3A_182, %scan3A_183 : i32
    %scan3A_185 = arith.constant 1 : i32
    %scan3A_186:8 = scf.for %scan3A_236 = %scan3A_182 to %scan3A_184 step %scan3A_185 iter_args(%scan3A_237 = %broadcast_in_dim3A_167, %scan3A_238 = %broadcast_in_dim3A_169, %scan3A_239 = %broadcast_in_dim3A_171, %scan3A_240 = %broadcast_in_dim3A_173, %scan3A_241 = %broadcast_in_dim3A_175, %scan3A_242 = %broadcast_in_dim3A_177, %scan3A_243 = %broadcast_in_dim3A_179, %scan3A_244 = %broadcast_in_dim3A_181) -> (vector<16xf32>, vector<16xf32>, vector<16xf32>, vector<16xf32>, vector<16xf32>, vector<16xf32>, vector<16xf32>, vector<16xf32>)  : i32 {
      %get3A = arith.constant 1 : i32
      %get3A_245 = arith.index_cast %get3A : i32 to index
      %get3A_246 = arith.index_cast %scan3A_236 : i32 to index
      %get3A_247 = arith.constant 0 : index
      %get3A_248 = tpu.vector_load %arg6[%get3A_245, %get3A_246, %get3A_247] {strides = array<i32>} : memref<3x200x128xf32, #tpu.memory_space<vmem>>, vector<1x1x16xf32>,
      %get3A_249 = vector.shape_cast %get3A_248 : vector<1x1x16xf32> to vector<16xf32>
      %add3A_250 = arith.addf %scan3A_237, %get3A_249 : vector<16xf32>
      %get3A_251 = arith.constant 1 : i32
      %get3A_252 = arith.index_cast %get3A_251 : i32 to index
      %get3A_253 = arith.index_cast %scan3A_236 : i32 to index
      %get3A_254 = arith.constant 16 : index
      %get3A_255 = tpu.vector_load %arg6[%get3A_252, %get3A_253, %get3A_254] {strides = array<i32>} : memref<3x200x128xf32, #tpu.memory_space<vmem>>, vector<1x1x16xf32>,
      %get3A_256 = vector.shape_cast %get3A_255 : vector<1x1x16xf32> to vector<16xf32>
      %add3A_257 = arith.addf %scan3A_238, %get3A_256 : vector<16xf32>
      %get3A_258 = arith.constant 1 : i32
      %get3A_259 = arith.index_cast %get3A_258 : i32 to index
      %get3A_260 = arith.index_cast %scan3A_236 : i32 to index
      %get3A_261 = arith.constant 32 : index
      %get3A_262 = tpu.vector_load %arg6[%get3A_259, %get3A_260, %get3A_261] {strides = array<i32>} : memref<3x200x128xf32, #tpu.memory_space<vmem>>, vector<1x1x16xf32>,
      %get3A_263 = vector.shape_cast %get3A_262 : vector<1x1x16xf32> to vector<16xf32>
      %add3A_264 = arith.addf %scan3A_239, %get3A_263 : vector<16xf32>
      %get3A_265 = arith.constant 1 : i32
      %get3A_266 = arith.index_cast %get3A_265 : i32 to index
      %get3A_267 = arith.index_cast %scan3A_236 : i32 to index
      %get3A_268 = arith.constant 48 : index
      %get3A_269 = tpu.vector_load %arg6[%get3A_266, %get3A_267, %get3A_268] {strides = array<i32>} : memref<3x200x128xf32, #tpu.memory_space<vmem>>, vector<1x1x16xf32>,
      %get3A_270 = vector.shape_cast %get3A_269 : vector<1x1x16xf32> to vector<16xf32>
      %add3A_271 = arith.addf %scan3A_240, %get3A_270 : vector<16xf32>
      %get3A_272 = arith.constant 1 : i32
      %get3A_273 = arith.index_cast %get3A_272 : i32 to index
      %get3A_274 = arith.index_cast %scan3A_236 : i32 to index
      %get3A_275 = arith.constant 64 : index
      %get3A_276 = tpu.vector_load %arg6[%get3A_273, %get3A_274, %get3A_275] {strides = array<i32>} : memref<3x200x128xf32, #tpu.memory_space<vmem>>, vector<1x1x16xf32>,
      %get3A_277 = vector.shape_cast %get3A_276 : vector<1x1x16xf32> to vector<16xf32>
      %add3A_278 = arith.addf %scan3A_241, %get3A_277 : vector<16xf32>
      %get3A_279 = arith.constant 1 : i32
      %get3A_280 = arith.index_cast %get3A_279 : i32 to index
      %get3A_281 = arith.index_cast %scan3A_236 : i32 to index
      %get3A_282 = arith.constant 80 : index
      %get3A_283 = tpu.vector_load %arg6[%get3A_280, %get3A_281, %get3A_282] {strides = array<i32>} : memref<3x200x128xf32, #tpu.memory_space<vmem>>, vector<1x1x16xf32>,
      %get3A_284 = vector.shape_cast %get3A_283 : vector<1x1x16xf32> to vector<16xf32>
      %add3A_285 = arith.addf %scan3A_242, %get3A_284 : vector<16xf32>
      %get3A_286 = arith.constant 1 : i32
      %get3A_287 = arith.index_cast %get3A_286 : i32 to index
      %get3A_288 = arith.index_cast %scan3A_236 : i32 to index
      %get3A_289 = arith.constant 96 : index
      %get3A_290 = tpu.vector_load %arg6[%get3A_287, %get3A_288, %get3A_289] {strides = array<i32>} : memref<3x200x128xf32, #tpu.memory_space<vmem>>, vector<1x1x16xf32>,
      %get3A_291 = vector.shape_cast %get3A_290 : vector<1x1x16xf32> to vector<16xf32>
      %add3A_292 = arith.addf %scan3A_243, %get3A_291 : vector<16xf32>
      %get3A_293 = arith.constant 1 : i32
      %get3A_294 = arith.index_cast %get3A_293 : i32 to index
      %get3A_295 = arith.index_cast %scan3A_236 : i32 to index
      %get3A_296 = arith.constant 112 : index
      %get3A_297 = tpu.vector_load %arg6[%get3A_294, %get3A_295, %get3A_296] {strides = array<i32>} : memref<3x200x128xf32, #tpu.memory_space<vmem>>, vector<1x1x16xf32>,
      %get3A_298 = vector.shape_cast %get3A_297 : vector<1x1x16xf32> to vector<16xf32>
      %add3A_299 = arith.addf %scan3A_244, %get3A_298 : vector<16xf32>
      scf.yield %add3A_250, %add3A_257, %add3A_264, %add3A_271, %add3A_278, %add3A_285, %add3A_292, %add3A_299 : vector<16xf32>, vector<16xf32>, vector<16xf32>, vector<16xf32>, vector<16xf32>, vector<16xf32>, vector<16xf32>, vector<16xf32>
    }
    %scan3A_187 = arith.constant 200 : i32
    %swap3A_188 = arith.constant 127 : i32
    %swap3A_189 = arith.index_cast %swap3A_188 : i32 to index
    %swap3A_190 = arith.constant 0 : index
    %swap3A_191 = tpu.vector_load %arg7[%swap3A_189, %swap3A_190] {strides = array<i32>} : memref<128x128xf32, #tpu.memory_space<vmem>>, vector<1x16xf32>,
    %swap3A_192 = vector.shape_cast %swap3A_191 : vector<1x16xf32> to vector<16xf32>
    %swap3A_193 = vector.shape_cast %scan3A_186#0 : vector<16xf32> to vector<1x16xf32>
    tpu.vector_store %arg7[%swap3A_189, %swap3A_190], %swap3A_193 {strides = array<i32>} : memref<128x128xf32, #tpu.memory_space<vmem>>, vector<1x16xf32>,
    %swap3A_194 = arith.constant 127 : i32
    %swap3A_195 = arith.index_cast %swap3A_194 : i32 to index
    %swap3A_196 = arith.constant 16 : index
    %swap3A_197 = tpu.vector_load %arg7[%swap3A_195, %swap3A_196] {strides = array<i32>} : memref<128x128xf32, #tpu.memory_space<vmem>>, vector<1x16xf32>,
    %swap3A_198 = vector.shape_cast %swap3A_197 : vector<1x16xf32> to vector<16xf32>
    %swap3A_199 = vector.shape_cast %scan3A_186#1 : vector<16xf32> to vector<1x16xf32>
    tpu.vector_store %arg7[%swap3A_195, %swap3A_196], %swap3A_199 {strides = array<i32>} : memref<128x128xf32, #tpu.memory_space<vmem>>, vector<1x16xf32>,
    %swap3A_200 = arith.constant 127 : i32
    %swap3A_201 = arith.index_cast %swap3A_200 : i32 to index
    %swap3A_202 = arith.constant 32 : index
    %swap3A_203 = tpu.vector_load %arg7[%swap3A_201, %swap3A_202] {strides = array<i32>} : memref<128x128xf32, #tpu.memory_space<vmem>>, vector<1x16xf32>,
    %swap3A_204 = vector.shape_cast %swap3A_203 : vector<1x16xf32> to vector<16xf32>
    %swap3A_205 = vector.shape_cast %scan3A_186#2 : vector<16xf32> to vector<1x16xf32>
    tpu.vector_store %arg7[%swap3A_201, %swap3A_202], %swap3A_205 {strides = array<i32>} : memref<128x128xf32, #tpu.memory_space<vmem>>, vector<1x16xf32>,
    %swap3A_206 = arith.constant 127 : i32
    %swap3A_207 = arith.index_cast %swap3A_206 : i32 to index
    %swap3A_208 = arith.constant 48 : index
    %swap3A_209 = tpu.vector_load %arg7[%swap3A_207, %swap3A_208] {strides = array<i32>} : memref<128x128xf32, #tpu.memory_space<vmem>>, vector<1x16xf32>,
    %swap3A_210 = vector.shape_cast %swap3A_209 : vector<1x16xf32> to vector<16xf32>
    %swap3A_211 = vector.shape_cast %scan3A_186#3 : vector<16xf32> to vector<1x16xf32>
    tpu.vector_store %arg7[%swap3A_207, %swap3A_208], %swap3A_211 {strides = array<i32>} : memref<128x128xf32, #tpu.memory_space<vmem>>, vector<1x16xf32>,
    %swap3A_212 = arith.constant 127 : i32
    %swap3A_213 = arith.index_cast %swap3A_212 : i32 to index
    %swap3A_214 = arith.constant 64 : index
    %swap3A_215 = tpu.vector_load %arg7[%swap3A_213, %swap3A_214] {strides = array<i32>} : memref<128x128xf32, #tpu.memory_space<vmem>>, vector<1x16xf32>,
    %swap3A_216 = vector.shape_cast %swap3A_215 : vector<1x16xf32> to vector<16xf32>
    %swap3A_217 = vector.shape_cast %scan3A_186#4 : vector<16xf32> to vector<1x16xf32>
    tpu.vector_store %arg7[%swap3A_213, %swap3A_214], %swap3A_217 {strides = array<i32>} : memref<128x128xf32, #tpu.memory_space<vmem>>, vector<1x16xf32>,
    %swap3A_218 = arith.constant 127 : i32
    %swap3A_219 = arith.index_cast %swap3A_218 : i32 to index
    %swap3A_220 = arith.constant 80 : index
    %swap3A_221 = tpu.vector_load %arg7[%swap3A_219, %swap3A_220] {strides = array<i32>} : memref<128x128xf32, #tpu.memory_space<vmem>>, vector<1x16xf32>,
    %swap3A_222 = vector.shape_cast %swap3A_221 : vector<1x16xf32> to vector<16xf32>
    %swap3A_223 = vector.shape_cast %scan3A_186#5 : vector<16xf32> to vector<1x16xf32>
    tpu.vector_store %arg7[%swap3A_219, %swap3A_220], %swap3A_223 {strides = array<i32>} : memref<128x128xf32, #tpu.memory_space<vmem>>, vector<1x16xf32>,
    %swap3A_224 = arith.constant 127 : i32
    %swap3A_225 = arith.index_cast %swap3A_224 : i32 to index
    %swap3A_226 = arith.constant 96 : index
    %swap3A_227 = tpu.vector_load %arg7[%swap3A_225, %swap3A_226] {strides = array<i32>} : memref<128x128xf32, #tpu.memory_space<vmem>>, vector<1x16xf32>,
    %swap3A_228 = vector.shape_cast %swap3A_227 : vector<1x16xf32> to vector<16xf32>
    %swap3A_229 = vector.shape_cast %scan3A_186#6 : vector<16xf32> to vector<1x16xf32>
    tpu.vector_store %arg7[%swap3A_225, %swap3A_226], %swap3A_229 {strides = array<i32>} : memref<128x128xf32, #tpu.memory_space<vmem>>, vector<1x16xf32>,
    %swap3A_230 = arith.constant 127 : i32
    %swap3A_231 = arith.index_cast %swap3A_230 : i32 to index
    %swap3A_232 = arith.constant 112 : index
    %swap3A_233 = tpu.vector_load %arg7[%swap3A_231, %swap3A_232] {strides = array<i32>} : memref<128x128xf32, #tpu.memory_space<vmem>>, vector<1x16xf32>,
    %swap3A_234 = vector.shape_cast %swap3A_233 : vector<1x16xf32> to vector<16xf32>
    %swap3A_235 = vector.shape_cast %scan3A_186#7 : vector<16xf32> to vector<1x16xf32>
    tpu.vector_store %arg7[%swap3A_231, %swap3A_232], %swap3A_235 {strides = array<i32>} : memref<128x128xf32, #tpu.memory_space<vmem>>, vector<1x16xf32>,
    "tpu.region"() ({
      %run_scoped3A = tpu.sem_alloc : memref<!tpu.dma_semaphore, #tpu.memory_space<semaphore_mem>>
      %dma_start3A_236 = arith.constant 0 : i32
      %dma_start3A_237 = tpu.memref_slice %arg4[%mul3A_2, %dma_start3A_236] : memref<4096x128xf32, #tpu.memory_space<hbm>> -> memref<128x128xf32, #tpu.memory_space<hbm>>
      %dma_start3A_238 = arith.constant 0 : i32
      %dma_start3A_239 = tpu.memref_slice %arg4[%mul3A_2, %dma_start3A_238] : memref<4096x128xf32, #tpu.memory_space<hbm>> -> memref<128x128xf32, #tpu.memory_space<hbm>>
      tpu.enqueue_dma source(%arg7 : memref<128x128xf32, #tpu.memory_space<vmem>>) target(%dma_start3A_239 : memref<128x128xf32, #tpu.memory_space<hbm>>) target_semaphore(%run_scoped3A : memref<!tpu.dma_semaphore, #tpu.memory_space<semaphore_mem>>)
      %dma_wait3A_240 = arith.constant 0 : i32
      %dma_wait3A_241 = tpu.memref_slice %arg4[%mul3A_2, %dma_wait3A_240] : memref<4096x128xf32, #tpu.memory_space<hbm>> -> memref<128x128xf32, #tpu.memory_space<hbm>>
      %dma_wait3A_242 = arith.constant 0 : i32
      %dma_wait3A_243 = tpu.memref_slice %arg4[%mul3A_2, %dma_wait3A_242] : memref<4096x128xf32, #tpu.memory_space<hbm>> -> memref<128x128xf32, #tpu.memory_space<hbm>>
      tpu.wait_dma2 semaphore(%run_scoped3A : memref<!tpu.dma_semaphore, #tpu.memory_space<semaphore_mem>>) src(%arg7 : memref<128x128xf32, #tpu.memory_space<vmem>>) dst(%dma_wait3A_243 : memref<128x128xf32, #tpu.memory_space<hbm>>)
      tpu.yield
    }) : () -> ()
    return
  }
}

module attributes {stable_mosaic.version = 14 : i64} {
  func.func @_tc_body(%arg0: i32, %arg1: memref<512x128xf32, #tpu.memory_space<vmem>>, %arg2: memref<128x128xf32, #tpu.memory_space<vmem>>, %arg3: memref<1x128xf32, #tpu.memory_space<vmem>>, %arg4: memref<1x128xf32, #tpu.memory_space<vmem>>, %arg5: memref<1x128xf32, #tpu.memory_space<vmem>>, %arg6: memref<1x128xf32, #tpu.memory_space<vmem>>, %arg7: memref<1x128xf32, #tpu.memory_space<vmem>>, %arg8: memref<512x128xf32, #tpu.memory_space<vmem>>) attributes {dimension_semantics = [#tpu.dimension_semantics<arbitrary>], iteration_bounds = array<i64: 8>, scalar_prefetch = 0 : i64, scratch_operands = 0 : i64, tpu.core_type = #tpu.core_type<tc>, window_params = [{transform_indices = @transform_0, window_bounds = array<i64: 512, 128>}, {pipeline_mode = #tpu.pipeline_mode<synchronous>, transform_indices = @transform_1, window_bounds = array<i64: 128, 128>}, {pipeline_mode = #tpu.pipeline_mode<synchronous>, transform_indices = @transform_2, window_bounds = array<i64: 1, 128>}, {pipeline_mode = #tpu.pipeline_mode<synchronous>, transform_indices = @transform_3, window_bounds = array<i64: 1, 128>}, {pipeline_mode = #tpu.pipeline_mode<synchronous>, transform_indices = @transform_4, window_bounds = array<i64: 1, 128>}, {pipeline_mode = #tpu.pipeline_mode<synchronous>, transform_indices = @transform_5, window_bounds = array<i64: 1, 128>}, {pipeline_mode = #tpu.pipeline_mode<synchronous>, transform_indices = @transform_6, window_bounds = array<i64: 1, 128>}, {transform_indices = @transform_7, window_bounds = array<i64: 512, 128>}]} {
    %get3A = arith.constant 0 : index
    %get3A_0 = arith.constant 0 : index
    %get3A_1 = vector.load %arg1[%get3A, %get3A_0] : memref<512x128xf32, #tpu.memory_space<vmem>>, vector<512x128xf32>
    %mul3A = arith.constant 5.000000e-03 : f32
    %mul3A_2 = vector.broadcast %mul3A : f32 to vector<512x128xf32>
    %mul3A_3 = arith.mulf %get3A_1, %mul3A_2 : vector<512x128xf32>
    %get3A_4 = arith.constant 0 : index
    %get3A_5 = arith.constant 0 : index
    %get3A_6 = vector.load %arg2[%get3A_4, %get3A_5] : memref<128x128xf32, #tpu.memory_space<vmem>>, vector<128x128xf32>
    %dot_general3A = arith.constant dense<0.000000e+00> : vector<512x128xf32>
    %dot_general3A_7 = tpu.matmul %mul3A_3, %get3A_6, %dot_general3A {dimension_numbers = #tpu.dot_dimension_numbers<[1], [0], [0], [1], [0, 0, 1, 1], [], []>, transpose_lhs_hint = false} : vector<512x128xf32>, vector<128x128xf32>, vector<512x128xf32> -> vector<512x128xf32>
    %get3A_8 = arith.constant 0 : index
    %get3A_9 = arith.constant 0 : index
    %get3A_10 = vector.load %arg3[%get3A_8, %get3A_9] : memref<1x128xf32, #tpu.memory_space<vmem>>, vector<1x128xf32>
    %add3A = vector.broadcast %get3A_10 : vector<1x128xf32> to vector<512x128xf32>
    %add3A_11 = arith.addf %dot_general3A_7, %add3A : vector<512x128xf32>
    %get3A_12 = arith.constant 0 : index
    %get3A_13 = arith.constant 0 : index
    %get3A_14 = vector.load %arg4[%get3A_12, %get3A_13] : memref<1x128xf32, #tpu.memory_space<vmem>>, vector<1x128xf32>
    %get3A_15 = arith.constant 0 : index
    %get3A_16 = arith.constant 0 : index
    %get3A_17 = vector.load %arg7[%get3A_15, %get3A_16] : memref<1x128xf32, #tpu.memory_space<vmem>>, vector<1x128xf32>
    %add3A_18 = arith.constant 1.000000e-03 : f32
    %add3A_19 = vector.broadcast %add3A_18 : f32 to vector<1x128xf32>
    %add3A_20 = arith.addf %get3A_17, %add3A_19 : vector<1x128xf32>
    %sqrt3A = math.sqrt %add3A_20 : vector<1x128xf32>
    %div3A = arith.divf %get3A_14, %sqrt3A : vector<1x128xf32>
    %get3A_21 = arith.constant 0 : index
    %get3A_22 = arith.constant 0 : index
    %get3A_23 = vector.load %arg6[%get3A_21, %get3A_22] : memref<1x128xf32, #tpu.memory_space<vmem>>, vector<1x128xf32>
    %sub3A = vector.broadcast %get3A_23 : vector<1x128xf32> to vector<512x128xf32>
    %sub3A_24 = arith.subf %add3A_11, %sub3A : vector<512x128xf32>
    %mul3A_25 = vector.broadcast %div3A : vector<1x128xf32> to vector<512x128xf32>
    %mul3A_26 = arith.mulf %sub3A_24, %mul3A_25 : vector<512x128xf32>
    %get3A_27 = arith.constant 0 : index
    %get3A_28 = arith.constant 0 : index
    %get3A_29 = vector.load %arg5[%get3A_27, %get3A_28] : memref<1x128xf32, #tpu.memory_space<vmem>>, vector<1x128xf32>
    %add3A_30 = vector.broadcast %get3A_29 : vector<1x128xf32> to vector<512x128xf32>
    %add3A_31 = arith.addf %mul3A_26, %add3A_30 : vector<512x128xf32>
    %mul3A_32 = arith.mulf %add3A_31, %add3A_31 : vector<512x128xf32>
    %reduce_sum3A = arith.constant dense<0.000000e+00> : vector<512xf32>
    %reduce_sum3A_33 = vector.multi_reduction <add>, %mul3A_32, %reduce_sum3A [1] : vector<512x128xf32> to vector<512xf32>
    %broadcast_in_dim3A = vector.shape_cast %reduce_sum3A_33 : vector<512xf32> to vector<512x1xf32>
    %sqrt3A_34 = math.sqrt %broadcast_in_dim3A : vector<512x1xf32>
    %div3A_35 = vector.broadcast %sqrt3A_34 : vector<512x1xf32> to vector<512x128xf32>
    %div3A_36 = arith.divf %add3A_31, %div3A_35 : vector<512x128xf32>
    %swap3A = arith.constant 0 : index
    %swap3A_37 = arith.constant 0 : index
    %swap3A_38 = vector.load %arg8[%swap3A, %swap3A_37] : memref<512x128xf32, #tpu.memory_space<vmem>>, vector<512x128xf32>
    tpu.vector_store %arg8[%swap3A, %swap3A_37], %div3A_36 {strides = array<i32>} : memref<512x128xf32, #tpu.memory_space<vmem>>, vector<512x128xf32>,
    return
  }
  func.func @transform_0(%arg0: i32) -> (i32, i32) {
    %c0_i32 = arith.constant 0 : i32
    %c0_i32_0 = arith.constant 0 : i32
    return %arg0, %c0_i32 : i32, i32
  }
  func.func @transform_1(%arg0: i32) -> (i32, i32) {
    %c0_i32 = arith.constant 0 : i32
    %c0_i32_0 = arith.constant 0 : i32
    %c0_i32_1 = arith.constant 0 : i32
    return %c0_i32, %c0_i32_0 : i32, i32
  }
  func.func @transform_2(%arg0: i32) -> (i32, i32) {
    %c0_i32 = arith.constant 0 : i32
    %c0_i32_0 = arith.constant 0 : i32
    %c0_i32_1 = arith.constant 0 : i32
    return %c0_i32, %c0_i32_0 : i32, i32
  }
  func.func @transform_3(%arg0: i32) -> (i32, i32) {
    %c0_i32 = arith.constant 0 : i32
    %c0_i32_0 = arith.constant 0 : i32
    %c0_i32_1 = arith.constant 0 : i32
    return %c0_i32, %c0_i32_0 : i32, i32
  }
  func.func @transform_4(%arg0: i32) -> (i32, i32) {
    %c0_i32 = arith.constant 0 : i32
    %c0_i32_0 = arith.constant 0 : i32
    %c0_i32_1 = arith.constant 0 : i32
    return %c0_i32, %c0_i32_0 : i32, i32
  }
  func.func @transform_5(%arg0: i32) -> (i32, i32) {
    %c0_i32 = arith.constant 0 : i32
    %c0_i32_0 = arith.constant 0 : i32
    %c0_i32_1 = arith.constant 0 : i32
    return %c0_i32, %c0_i32_0 : i32, i32
  }
  func.func @transform_6(%arg0: i32) -> (i32, i32) {
    %c0_i32 = arith.constant 0 : i32
    %c0_i32_0 = arith.constant 0 : i32
    %c0_i32_1 = arith.constant 0 : i32
    return %c0_i32, %c0_i32_0 : i32, i32
  }
  func.func @transform_7(%arg0: i32) -> (i32, i32) {
    %c0_i32 = arith.constant 0 : i32
    %c0_i32_0 = arith.constant 0 : i32
    return %arg0, %c0_i32 : i32, i32
  }
}

</mosaic_0001>

<sc_bundles>
// kernel: kernel.4.cloned.1.call-start
scs
__scs_entry_jumppad:
0x0: {  	(pc) =	sbr.rel $0x88, $3  }
0x1: {  	(tag) =	ssettag $0x0;
	lr =	simm.s32 $0x1  }
0x2: {  	[smem:$0x3F99] =	sst lr;
	_ =	strace $0xD0000000  }
0x3: {  	_ = 	snop  }
0x4: {  	_ = 	snop  }
0x5: {  	_ = 	snop  }
0x6: {  	_ = 	snop  }
0x7: {  	_ = 	snop  }
__scs_overlays_trampoline_lowered:
0x8: {  	[smem:$0x3FA8] =	sst s0  }
0x9: {  	[smem:$0x3FA9] =	sst s1  }
0xa: {  	[smem:$0x3FAA] =	sst s2  }
0xb: {  	[smem:$0x3FAB] =	sst s3  }
0xc: {  	[smem:$0x3FAC] =	sst s4  }
0xd: {  	[smem:$0x3FAD] =	sst s5  }
0xe: {  	[smem:$0x3FAE] =	sst s6  }
0xf: {  	[smem:$0x3FAF] =	sst s7  }
0x10: {  	[smem:$0x3FB0] =	sst s8  }
0x11: {  	[smem:$0x3FB1] =	sst s9;
	s0 =	simm.s32 @!p0 $0x0  }
0x12: {  	s1 =	sld [smem:$0x3F97];
	s0 =	simm.s32 @p0 $0x1  }
0x13: {  	[smem:$0x3FB2] =	sst s0;
	s0 =	simm.s32 @!p1 $0x0  }
0x14: {  	s2 =	sld [smem:$0x3F96];
	s0 =	simm.s32 @p1 $0x1  }
0x15: {  	[smem:$0x3FB3] =	sst s0;
	s0 =	simm.s32 @!p2 $0x0  }
0x16: {  	s3 =	sld [smem:$0x3FDB];
	s0 =	simm.s32 @p2 $0x1  }
0x17: {  	s4 =	simm.s32 $0x1BF5;
	[smem:$0x3FB5] =	sst s0  }
0x18: {  	s0 =	sld [smem:$0x3F98];
	_ =	swait.ge [sflag:s4], $0x0  }
0x19: {  	s7 =	sld [smem:$0x3F99]  }
0x1a: {  	s8 =	sadd.s32 $0xFFFFE003, lr  }
0x1b: {  	s9 =	sadd.s32 $0xFFFFFEF7, lr;
	s5 =	simm.s32 $0xFFFFFFFF;
	p2 =	slt.u32 s8, $0xFFFFF086  }
0x1c: {  	p1 =	slt.u32 s9, $0xF7A;
	s5 =	simm.s32 @!p2 $0x0  }
0x1d: {  	s5 =	simm.s32 @p1 $0x1;
	p0 =	seq.s32 s7, s2  }
0x1e: {  	s7 =	smul.u32 @!p0 $0xF7A, s2;
	p2 =	seq.s32 @!p0 s5, $0x0  }
0x1f: {  	s9 =	smul.u32 $0xF7A, s1;
	s8 =	simm.s32 @!p0 $0x1BF5;
	p2 =	por !p2, p0  }
0x20: {  	[sflag:s8] =	ssyncset.s32 @!p0 $0xFFFFF086;
	s6 =	sadd.s32 @!p0 s3, s7;
	s7 =	simm.s32 @!p0 $0x108  }
0x21: {  	s3 =	sadd.s32 s3, s9;
	s6 =	sadd.s32 @!p0 $0x88, s6;
	s7 =	simm.s32 @p2 $0x1082  }
0x22: {  	[simem:s7], [sflag:s8] =	dma.local @!p0 [hbm:s6], $0xF7A  }
0x23: {  	s9 =	sor.u32 $0xD0000000, s2;
	s6 =	simm.s32 $0x108;
	_ =	swait.ge @!p0 [sflag:s8], $0x0  }
0x24: {  	s3 =	sadd.s32 $0x88, s3;
	s6 =	simm.s32 @!p1 $0x1082;
	[sflag:s4] =	ssyncset.s32 $0xFFFFF086  }
0x25: {  	[simem:s6], [sflag:s4] =	dma.local [hbm:s3], $0xF7A  }
0x26: {  	[smem:$0x3F99] =	sst s1;
	(tag) =	ssettag s2;
	_ =	strace s9  }
0x27: {  	s1 =	sld [smem:$0x3FA9]  }
0x28: {  	s2 =	sld [smem:$0x3FAA]  }
0x29: {  	s4 =	sld [smem:$0x3FAC]  }
0x2a: {  	p0 =	seq.s32 s5, $0x0;
	s5 =	sld [smem:$0x3FAD]  }
0x2b: {  	s6 =	sld [smem:$0x3FAE]  }
0x2c: {  	s7 =	sld [smem:$0x3FAF]  }
0x2d: {  	s3 =	simm.s32 $0x108;
	s8 =	sld [smem:$0x3FB0]  }
0x2e: {  	s3 =	simm.s32 @!p0 $0x1082;
	s9 =	sld [smem:$0x3FB1]  }
0x2f: {  	lr =	sadd.s32 s0, s3;
	s0 =	sld [smem:$0x3FA8]  }
0x30: {  	s3 =	sld [smem:$0x3FAB]  }
0x31: {  	[smem:$0x3FB4] =	sst s10  }
0x32: {  	s10 =	sld [smem:$0x3FB2];
	_ =	sdelay $0x3  }
0x33: {  	p0 =	seq.s32 s10, $0x1;
	s10 =	sld [smem:$0x3FB4];
	_ =	sdelay $0x3  }
0x34: {  	[smem:$0x3FB4] =	sst s10  }
0x35: {  	s10 =	sld [smem:$0x3FB3];
	_ =	sdelay $0x3  }
0x36: {  	p1 =	seq.s32 s10, $0x1;
	s10 =	sld [smem:$0x3FB4];
	_ =	sdelay $0x3  }
0x37: {  	[smem:$0x3FB4] =	sst s10  }
0x38: {  	s10 =	sld [smem:$0x3FB5]  }
0x39: {  	_ = 	snop;
	(pc) =	sbr.ind lr, $3  }
0x3a: {  	_ = 	snop  }
0x3b: {  	_ = 	snop  }
0x3c: {  	p2 =	seq.s32 s10, $0x1;
	s10 =	sld [smem:$0x3FB4]  }
0x3d: {  	_ =	shalt  }
0x3e: {  	_ =	shalt  }
0x3f: {  	_ =	shalt  }
0x40: {  	_ =	shalt  }
0x41: {  	_ =	shalt  }
0x42: {  	_ =	shalt  }
0x43: {  	_ =	shalt  }
0x44: {  	_ =	shalt  }
0x45: {  	_ =	shalt  }
0x46: {  	_ =	shalt  }
0x47: {  	_ =	shalt  }
0x48: {  	_ =	shalt  }
0x49: {  	_ =	shalt  }
0x4a: {  	_ =	shalt  }
0x4b: {  	_ =	shalt  }
0x4c: {  	_ =	shalt  }
0x4d: {  	_ =	shalt  }
0x4e: {  	_ =	shalt  }
0x4f: {  	_ =	shalt  }
0x50: {  	_ =	shalt  }
0x51: {  	_ =	shalt  }
0x52: {  	_ =	shalt  }
0x53: {  	_ =	shalt  }
0x54: {  	_ =	shalt  }
0x55: {  	_ =	shalt  }
0x56: {  	_ =	shalt  }
0x57: {  	_ =	shalt  }
0x58: {  	_ =	shalt  }
0x59: {  	_ =	shalt  }
0x5a: {  	_ =	shalt  }
0x5b: {  	_ =	shalt  }
0x5c: {  	_ =	shalt  }
0x5d: {  	_ =	shalt  }
0x5e: {  	_ =	shalt  }
0x5f: {  	_ =	shalt  }
0x60: {  	_ =	shalt  }
0x61: {  	_ =	shalt  }
0x62: {  	_ =	shalt  }
0x63: {  	_ =	shalt  }
0x64: {  	_ =	shalt  }
0x65: {  	_ =	shalt  }
0x66: {  	_ =	shalt  }
0x67: {  	_ =	shalt  }
0x68: {  	_ =	shalt  }
0x69: {  	_ =	shalt  }
0x6a: {  	_ =	shalt  }
0x6b: {  	_ =	shalt  }
0x6c: {  	_ =	shalt  }
0x6d: {  	_ =	shalt  }
0x6e: {  	_ =	shalt  }
0x6f: {  	_ =	shalt  }
0x70: {  	_ =	shalt  }
0x71: {  	_ =	shalt  }
0x72: {  	_ =	shalt  }
0x73: {  	_ =	shalt  }
0x74: {  	_ =	shalt  }
0x75: {  	_ =	shalt  }
0x76: {  	_ =	shalt  }
0x77: {  	_ =	shalt  }
0x78: {  	_ =	shalt  }
0x79: {  	_ =	shalt  }
0x7a: {  	_ =	shalt  }
0x7b: {  	_ =	shalt  }
0x7c: {  	_ =	shalt  }
0x7d: {  	_ =	shalt  }
0x7e: {  	_ =	shalt  }
0x7f: {  	_ =	shalt  }
0x80: {  	_ =	shalt  }
0x81: {  	_ =	shalt  }
0x82: {  	_ =	shalt  }
0x83: {  	_ =	shalt  }
0x84: {  	_ =	shalt  }
0x85: {  	_ =	shalt  }
0x86: {  	_ =	shalt  }
0x87: {  	_ =	shalt  }
.Lfunc_end0:
.L_simem_size_0:
called_computation_lowered:
.L_overlay_start_0:
0x88: {  	s2 =	sld [smem:$0x3FD9]  }
0x89: {  	s3 =	sld [smem:$0x3FFE];
	_ =	sdelay $0x1  }
0x8a: {  	s1 =	srdreg.scid  }
0x8b: {  	s0 =	sand.u32 $0x1, s1  }
0x8c: {  	s17 =	sshll.u32 s0, $0xA;
	s2 =	sadd.s32 s3, s2  }
0x8d: {  	s2 =	sadd.s32 s2, s17  }
0x8e: {  	[smem:$0x3FC0] =	sst s2  }
0x8f: {  	_ = 	snop  }
0x90: {  	s2 =	sld [smem:$0x3FC8]  }
0x91: {  	s18 =	sld [smem:$0x3FD0];
	(tm) =	ssettm $0x1  }
0x92: {  	s4 =	sld [smem:$0x3FFB];
	_ =	sdelay $0x3  }
0x93: {  	_ =	strace s4  }
0x94: {  	s4 =	sld [smem:$0x3FFC];
	_ =	sdelay $0x3  }
0x95: {  	_ =	strace s4  }
0x96: {  	s4 =	sld [smem:$0x3FFD];
	_ =	sdelay $0x3  }
0x97: {  	_ =	strace s4  }
0x98: {  	_ =	strace $0x8FFFFFFF  }
0x99: {  	s19 =	sld [smem:$0x3FDB];
	_ =	sdelay $0x1  }
0x9a: {  	s5 =	simm.s32 $_scs_section_size  }
0x9b: {  	s6 =	simm.s32 $_size__tile_overlayer_lowered;
	s7 =	simm.s32 $_tile_overlayer_lowered  }
0x9c: {  	s22 =	simm.s32 $0x1BFF;
	s21 =	sshll.u32 s7, $0x1;
	s4 =	sadd.s32 s5, s19  }
0x9d: {  	s8 =	simm.s32 $0x0;
	s20 =	sshll.u32 s6, $0x1;
	s6 =	sadd.s32 s21, s4  }
0x9e: {  	[timem:s8], [sflag:s22] =	dma.local [hbm:s6], s20  }
0x9f: {  	_ =	swait.ge [sflag:s22], s20  }
0xa0: {  	s5 =	ssub.s32 $0x0, s20;
	[sflag:s22] =	ssyncset.done $0x0  }
0xa1: {  	[sflag:s22] =	ssyncadd.s32 s5;
	_ =	sdelay $0x1  }
0xa2: {  	s23 =	simm.s32 $0x1B8B  }
0xa3: {  	_ =	swait.ge [sflag:s23], $0x1  }
0xa4: {  	[sflag:s23] =	ssyncset.done $0x0  }
0xa5: {  	s25 =	simm.s32 $0x1B8E;
	s24 =	sld [smem:$0x3FFE];
	[sflag:s23] =	ssyncadd.s32 $0xFFFFFFFF  }
0xa6: {  	s26 =	simm.s32 $execute0_lowered;
	[smem:$0x3FD2] =	sst s25  }
0xa7: {  	s6 =	sshll.u32 s26, $0x1;
	_ =	strace $0x80000046;
	[dreg:$0x1] =	wrdreg $0xFFFFFFFF  }
0xa8: {  	s28 =	simm.s32 $_size_execute0_lowered;
	s4 =	sadd.s32 s4, s6;
	[dreg:$0x0] =	wrdreg $0x0  }
0xa9: {  	s6 =	sshll.u32 s28, $0x1;
	[dreg:$0x2] =	wrdreg s4  }
0xaa: {  	[dreg:$0x3] =	wrdreg s6  }
0xab: {  	[dreg:$0x4] =	wrdreg $0xC0  }
0xac: {  	_ =	task [dreg:s8], $0x5FFFF  }
0xad: {  	[dreg:$0x1] =	wrdreg $0xFFFFFFFF  }
0xae: {  	[dreg:$0x0] =	wrdreg $0x60  }
0xaf: {  	[dreg:$0x2] =	wrdreg s24  }
0xb0: {  	[dreg:$0x3] =	wrdreg s2  }
0xb1: {  	[dreg:$0x4] =	wrdreg s18  }
0xb2: {  	[dreg:$0x5] =	wrdreg $0x9  }
0xb3: {  	_ =	task.clear_ibuf [dreg:s8], $0x6FFFF;
	_ =	strace $0x90000046  }
0xb4: {  	s29 =	simm.s32 $0x9;
	_ =	strace $0x80000048  }
0xb5: {  	_ =	swait.ge [sflag:s29], $0x1  }
0xb6: {  	[sflag:s29] =	ssyncadd.s32 $0xFFFFFFFF  }
0xb7: {  	_ =	strace $0x90000048  }
0xb8: {  	_ =	sfence  }
0xb9: {  	s30 =	sld [smem:$0x0];
	_ =	sdelay $0x2  }
0xba: {  	s31 =	sshll.u32 s1, $0xD;
	s1 =	sshrl.u32 s1, $0x2  }
0xbb: {  	s3 =	sand.u32 $0x4000, s31;
	s1 =	sadd.s32 s1, s30  }
0xbc: {  	s0 =	sor.u32 s3, s0;
	s1 =	sshll.u32 s1, $0x11  }
0xbd: {  	s0 =	sor.u32 s1, s0  }
0xbe: {  	s0 =	sadd.s32 $0x8F2B, s0  }
0xbf: {  	[sflag:s0] =	ssyncadd.remote.s32 $0x1  }
0xc0: {  	_ =	sfence.sel $0xFFFF  }
0xc1: {  	[dreg:$0x0] =	wrdreg $0xFFFFFFFF;
	(pc) =	sbr.abs _section_cstart, $3  }
0xc2: {  	[dreg:$0x1] =	wrdreg $0xFFFFFFFF  }
0xc3: {  	_ =	task.clear_ibuf [dreg:s8], $0x2FFFF;
	_ =	strace $0x9FFFFFFF  }
0xc4: {  	(tm) =	ssettm $0x7FFFFFFF  }
0xc5: {  	_ =	shalt  }
tec
execute0_lowered:
.L_overlay_start_1:
0x0: {  	(tag) =	ssettag $0x1  }
0x1: {  	s4 =	rddreg [dreg:$0x0];
	s1 =	srdreg.scid  }
0x2: {  	s0 =	stileid.u32;
	s2 =	rddreg [dreg:$0x1]  }
0x3: {  	s6 =	rddreg [dreg:$0x2];
	s3 =	simm.s32 $0x0;
	s9 =	simm.s32 $0x6400  }
0x4: {  	s10 =	simm.s32 $0x60;
	s11 =	simm.s32 $0x9800;
	s12 =	simm.s32 $0xC8  }
0x5: {  	s13 =	simm.s32 $0xC800;
	s14 =	simm.s32 $0x130;
	s15 =	simm.s32 $0xFC00  }
0x6: {  	s16 =	simm.s32 $0x190;
	s17 =	simm.s32 $0x12C00;
	s18 =	simm.s32 $0x1F8  }
0x7: {  	s19 =	simm.s32 $0x16000;
	s20 =	simm.s32 $0x1;
	s21 =	simm.s32 $0x19000  }
0x8: {  	s5 =	sand.u32 $0x1, s1;
	s29 =	sshll.u32 s0, $0x1;
	s1 =	rddreg [dreg:$0x3]  }
0x9: {  	s22 =	simm.s32 $0x0;
	[smem:$0x7FF] =	sst s3;
	s7 =	sor.u32 s5, s29  }
0xa: {  	s5 =	ssub.s32 $0x2, s5;
	_ =	strace $0x80000047;
	s8 =	smul.u32 $0xC80, s7  }
0xb: {  	s30 =	sshrl.u32 s5, $0x1;
	s31 =	sshll.u32 s7, $0xB;
	s7 =	simm.s32 $0x2  }
0xc: {  	s4 =	sadd.s32 s8, s4;
	s8 =	ssub.s32 s5, s30;
	s5 =	sadd.s32 s6, s31  }
0xd: {  	s4 =	sadd.s32 $0x1200, s4;
	s6 =	smax.u32 s8, $0x1;
	s8 =	simm.s32 $0x68  }
.LBB2_1:
0xe: {  	[tilespmem:s3], [sflag:$0x2] =	stream.linear.gather [hbm4b:s4+s3], $0x6400, $0x38;
	[tilespmem:$0x1D000] =	vst v63  }
0xf: {  	_ =	swait.ge [sflag:s7], $0x6400  }
0x10: {  	[sflag:s7] =	ssyncset.done $0x0  }
0x11: {  	[sflag:s7] =	ssyncadd.s32 $0xFFFF9C00  }
0x12: {  	[tilespmem:s9], [sflag:$0x1] =	stream.indirect.gather [hbm4b:s2+s8], $0x80, s3, s8, $0xb8;
	[tilespmem:$0x1D000] =	vst v63  }
0x13: {  	_ = 	snop  }
0x14: {  	[tilespmem:s11], [sflag:$0x1] =	stream.indirect.gather [hbm4b:s2+s10], $0x80, s8, s10, $0xb8;
	[tilespmem:$0x1D000] =	vst v63  }
0x15: {  	_ = 	snop  }
0x16: {  	[tilespmem:s13], [sflag:$0x1] =	stream.indirect.gather [hbm4b:s2+s8], $0x80, s12, s8, $0xb8;
	[tilespmem:$0x1D000] =	vst v63  }
0x17: {  	_ = 	snop  }
0x18: {  	[tilespmem:s15], [sflag:$0x1] =	stream.indirect.gather [hbm4b:s2+s10], $0x80, s14, s10, $0xb8;
	[tilespmem:$0x1D000] =	vst v63  }
0x19: {  	_ = 	snop  }
0x1a: {  	[tilespmem:s17], [sflag:$0x1] =	stream.indirect.gather [hbm4b:s2+s8], $0x80, s16, s8, $0xb8;
	[tilespmem:$0x1D000] =	vst v63  }
0x1b: {  	s23 =	simm.s32 $0x0  }
0x1c: {  	[tilespmem:s19], [sflag:$0x1] =	stream.indirect.gather [hbm4b:s2+s10], $0x80, s18, s10, $0xb8;
	[tilespmem:$0x1D000] =	vst v63  }
.LBB2_2:
0x1d: {  	_ =	swait.ge [sflag:s20], $0x6400  }
0x1e: {  	[sflag:s20] =	ssyncset.done $0x0  }
0x1f: {  	s26 =	simm.s32 $0x0;
	[sflag:s20] =	ssyncadd.s32 $0xFFFF9C00  }
0x20: {  	v0 =	vld [tilespmem:s26+$0x6470]  }
0x21: {  	v2 =	vld [tilespmem:s26+$0x6400]  }
0x22: {  	v3 =	vld [tilespmem:s26+$0x6410]  }
0x23: {  	v12 =	vld [tilespmem:s26+$0x6420]  }
0x24: {  	v10 =	vld [tilespmem:s26+$0x6430]  }
0x25: {  	v1 =	vimm.f32 $0.0e+00;
	v7 =	vimm.f32 $0.0e+00;
	v5 =	vld [tilespmem:s26+$0x6440]  }
0x26: {  	v8 =	vimm.f32 $0.0e+00;
	v9 =	vld [tilespmem:s26+$0x6450];
	v0 =	vadd.f32 v0, v1;
	v6 =	vadd.f32 v2, v1  }
0x27: {  	s24 =	simm.s32 $0x80;
	s25 =	simm.s32 $0x400;
	v11 =	vld [tilespmem:s26+$0x6460];
	v4 =	vadd.f32 v3, v1;
	v3 =	vimm.f32 $0.0e+00;
	v2 =	vimm.f32 $0.0e+00  }
.LBB2_3:
0x28: {  	p0 =	sne.s32 s25, $0x18E00;
	v13 =	vld [tilespmem:s24+$0x6470];
	v1 =	vadd.f32 v12, v1  }
0x29: {  	v14 =	vld [tilespmem:s24+$0x6400];
	v7 =	vadd.f32 v10, v7  }
0x2a: {  	v15 =	vld [tilespmem:s24+$0x6410];
	v8 =	vadd.f32 v5, v8  }
.Ltmp0:
0x2b: {  	v12 =	vld [tilespmem:s24+$0x6420];
	v3 =	vadd.f32 v9, v3;
	(pc) =	sbr.rel @p0 .LBB2_3-.Ltmp0, $4  }
0x2c: {  	v10 =	vld [tilespmem:s24+$0x6430];
	v2 =	vadd.f32 v11, v2  }
0x2d: {  	v5 =	vld [tilespmem:s24+$0x6440];
	v0 =	vadd.f32 v13, v0  }
0x2e: {  	v6 =	vadd.f32 v14, v6;
	v9 =	vld [tilespmem:s24+$0x6450]  }
0x2f: {  	v4 =	vadd.f32 v15, v4;
	v11 =	vld [tilespmem:s24+$0x6460];
	s24 =	sshra.s32 s25, $0x2;
	s25 =	sadd.s32 $0x200, s25  }
0x30: {  	v13 =	vld [tilespmem:s24+$0x6470]  }
0x31: {  	v14 =	vld [tilespmem:s24+$0x6400]  }
0x32: {  	v15 =	vld [tilespmem:s24+$0x6410]  }
0x33: {  	v16 =	vld [tilespmem:s24+$0x6420]  }
0x34: {  	v17 =	vld [tilespmem:s24+$0x6430]  }
0x35: {  	s25 =	smul.u32 $0x600, s23;
	v7 =	vadd.f32 v10, v7;
	v10 =	vld [tilespmem:s24+$0x6460]  }
0x36: {  	v18 =	vld [tilespmem:s24+$0x6440];
	v1 =	vadd.f32 v12, v1;
	v6 =	vadd.f32 v14, v6  }
0x37: {  	v12 =	vld [tilespmem:s24+$0x6450];
	s24 =	sshra.s32 s25, $0x2;
	v4 =	vadd.f32 v15, v4  }
0x38: {  	v2 =	vadd.f32 v11, v2;
	v1 =	vadd.f32 v16, v1;
	[tilespmem:s24+$0x19000] =	vst v6  }
0x39: {  	v0 =	vadd.f32 v13, v0;
	[tilespmem:s24+$0x19010] =	vst v4  }
0x3a: {  	v5 =	vadd.f32 v5, v8;
	v2 =	vadd.f32 v10, v2;
	[tilespmem:s24+$0x19020] =	vst v1  }
0x3b: {  	v3 =	vadd.f32 v9, v3;
	v6 =	vadd.f32 v17, v7;
	[tilespmem:s24+$0x19070] =	vst v0  }
0x3c: {  	s30 =	smul.u32 $0x960, s23;
	v4 =	vadd.f32 v18, v5;
	[tilespmem:s24+$0x19060] =	vst v2  }
0x3d: {  	v1 =	vadd.f32 v12, v3;
	[tilespmem:s24+$0x19030] =	vst v6  }
0x3e: {  	s25 =	sshra.s32 s30, $0x2;
	[tilespmem:s24+$0x19040] =	vst v4  }
0x3f: {  	s26 =	sadd.s32 $0x258, s25;
	[tilespmem:s24+$0x19050] =	vst v1  }
0x40: {  	[tilespmem:s9], [sflag:$0x1] =	stream.indirect.gather [hbm4b:s2+s8], $0x80, s26, s8, $0xb8;
	[tilespmem:$0x1D000] =	vst v63  }
0x41: {  	s31 =	sadd.s32 $0x2C0, s25  }
0x42: {  	[tilespmem:s11], [sflag:$0x1] =	stream.indirect.gather [hbm4b:s2+s10], $0x80, s31, s10, $0xb8;
	[tilespmem:$0x1D000] =	vst v63  }
0x43: {  	_ =	swait.ge [sflag:s20], $0x6400  }
0x44: {  	[sflag:s20] =	ssyncset.done $0x0  }
0x45: {  	s29 =	simm.s32 $0x0;
	[sflag:s20] =	ssyncadd.s32 $0xFFFF9C00  }
0x46: {  	v0 =	vld [tilespmem:s29+$0xC870]  }
0x47: {  	v2 =	vld [tilespmem:s29+$0xC800]  }
0x48: {  	v3 =	vld [tilespmem:s29+$0xC810]  }
0x49: {  	v11 =	vld [tilespmem:s29+$0xC820]  }
0x4a: {  	v10 =	vld [tilespmem:s29+$0xC830]  }
0x4b: {  	v8 =	vimm.f32 $0.0e+00;
	v1 =	vimm.f32 $0.0e+00;
	v7 =	vld [tilespmem:s29+$0xC840]  }
0x4c: {  	v6 =	vimm.f32 $0.0e+00;
	v4 =	vimm.f32 $0.0e+00;
	v9 =	vld [tilespmem:s29+$0xC850];
	v0 =	vadd.f32 v0, v1  }
0x4d: {  	s28 =	simm.s32 $0x400;
	s26 =	simm.s32 $0x80;
	v12 =	vld [tilespmem:s29+$0xC860];
	v5 =	vadd.f32 v2, v1;
	v3 =	vadd.f32 v3, v1;
	v2 =	vimm.f32 $0.0e+00  }
.LBB2_5:
0x4e: {  	p0 =	sne.s32 s28, $0x18E00;
	v13 =	vld [tilespmem:s26+$0xC870];
	v1 =	vadd.f32 v11, v1  }
0x4f: {  	v14 =	vld [tilespmem:s26+$0xC800];
	v6 =	vadd.f32 v10, v6  }
0x50: {  	v15 =	vld [tilespmem:s26+$0xC810];
	v8 =	vadd.f32 v7, v8  }
.Ltmp1:
0x51: {  	v11 =	vld [tilespmem:s26+$0xC820];
	v4 =	vadd.f32 v9, v4;
	(pc) =	sbr.rel @p0 .LBB2_5-.Ltmp1, $4  }
0x52: {  	v10 =	vld [tilespmem:s26+$0xC830];
	v2 =	vadd.f32 v12, v2  }
0x53: {  	v7 =	vld [tilespmem:s26+$0xC840];
	v0 =	vadd.f32 v13, v0  }
0x54: {  	v5 =	vadd.f32 v14, v5;
	v9 =	vld [tilespmem:s26+$0xC850]  }
0x55: {  	v3 =	vadd.f32 v15, v3;
	v12 =	vld [tilespmem:s26+$0xC860];
	s26 =	sshra.s32 s28, $0x2;
	s28 =	sadd.s32 $0x200, s28  }
0x56: {  	v14 =	vld [tilespmem:s26+$0xC800]  }
0x57: {  	v15 =	vld [tilespmem:s26+$0xC810]  }
0x58: {  	v16 =	vld [tilespmem:s26+$0xC820]  }
0x59: {  	v13 =	vld [tilespmem:s26+$0xC870]  }
0x5a: {  	v6 =	vadd.f32 v10, v6;
	v10 =	vld [tilespmem:s26+$0xC860]  }
0x5b: {  	v17 =	vld [tilespmem:s26+$0xC830];
	v1 =	vadd.f32 v11, v1;
	v5 =	vadd.f32 v14, v5  }
0x5c: {  	v18 =	vld [tilespmem:s26+$0xC840];
	v3 =	vadd.f32 v15, v3  }
0x5d: {  	v11 =	vld [tilespmem:s26+$0xC850];
	v2 =	vadd.f32 v12, v2;
	v1 =	vadd.f32 v16, v1;
	[tilespmem:s24+$0x19080] =	vst v5  }
0x5e: {  	v0 =	vadd.f32 v13, v0;
	[tilespmem:s24+$0x19090] =	vst v3  }
0x5f: {  	v7 =	vadd.f32 v7, v8;
	v2 =	vadd.f32 v10, v2;
	[tilespmem:s24+$0x190A0] =	vst v1  }
0x60: {  	v4 =	vadd.f32 v9, v4;
	v5 =	vadd.f32 v17, v6;
	[tilespmem:s24+$0x190F0] =	vst v0  }
0x61: {  	v3 =	vadd.f32 v18, v7;
	[tilespmem:s24+$0x190E0] =	vst v2  }
0x62: {  	v1 =	vadd.f32 v11, v4;
	[tilespmem:s24+$0x190B0] =	vst v5  }
0x63: {  	[tilespmem:s24+$0x190C0] =	vst v3  }
0x64: {  	s30 =	sadd.s32 $0x320, s25;
	[tilespmem:s24+$0x190D0] =	vst v1  }
0x65: {  	[tilespmem:s13], [sflag:$0x1] =	stream.indirect.gather [hbm4b:s2+s8], $0x80, s30, s8, $0xb8;
	[tilespmem:$0x1D000] =	vst v63  }
0x66: {  	s31 =	sadd.s32 $0x388, s25  }
0x67: {  	[tilespmem:s15], [sflag:$0x1] =	stream.indirect.gather [hbm4b:s2+s10], $0x80, s31, s10, $0xb8;
	[tilespmem:$0x1D000] =	vst v63  }
0x68: {  	_ =	swait.ge [sflag:s20], $0x6400  }
0x69: {  	[sflag:s20] =	ssyncset.done $0x0  }
0x6a: {  	s29 =	simm.s32 $0x0;
	[sflag:s20] =	ssyncadd.s32 $0xFFFF9C00  }
0x6b: {  	v0 =	vld [tilespmem:s29+$0x12C70]  }
0x6c: {  	v2 =	vld [tilespmem:s29+$0x12C00]  }
0x6d: {  	v3 =	vld [tilespmem:s29+$0x12C10]  }
0x6e: {  	v11 =	vld [tilespmem:s29+$0x12C20]  }
0x6f: {  	v10 =	vld [tilespmem:s29+$0x12C30]  }
0x70: {  	v8 =	vimm.f32 $0.0e+00;
	v1 =	vimm.f32 $0.0e+00;
	v7 =	vld [tilespmem:s29+$0x12C40]  }
0x71: {  	v6 =	vimm.f32 $0.0e+00;
	v4 =	vimm.f32 $0.0e+00;
	v9 =	vld [tilespmem:s29+$0x12C50];
	v0 =	vadd.f32 v0, v1  }
0x72: {  	s28 =	simm.s32 $0x400;
	s26 =	simm.s32 $0x80;
	v12 =	vld [tilespmem:s29+$0x12C60];
	v5 =	vadd.f32 v2, v1;
	v3 =	vadd.f32 v3, v1;
	v2 =	vimm.f32 $0.0e+00  }
.LBB2_7:
0x73: {  	p0 =	sne.s32 s28, $0x18E00;
	v13 =	vld [tilespmem:s26+$0x12C70];
	v1 =	vadd.f32 v11, v1  }
0x74: {  	v14 =	vld [tilespmem:s26+$0x12C00];
	v6 =	vadd.f32 v10, v6  }
0x75: {  	v15 =	vld [tilespmem:s26+$0x12C10];
	v8 =	vadd.f32 v7, v8  }
.Ltmp2:
0x76: {  	v11 =	vld [tilespmem:s26+$0x12C20];
	v4 =	vadd.f32 v9, v4;
	(pc) =	sbr.rel @p0 .LBB2_7-.Ltmp2, $4  }
0x77: {  	v10 =	vld [tilespmem:s26+$0x12C30];
	v2 =	vadd.f32 v12, v2  }
0x78: {  	v7 =	vld [tilespmem:s26+$0x12C40];
	v0 =	vadd.f32 v13, v0  }
0x79: {  	v5 =	vadd.f32 v14, v5;
	v9 =	vld [tilespmem:s26+$0x12C50]  }
0x7a: {  	v3 =	vadd.f32 v15, v3;
	v12 =	vld [tilespmem:s26+$0x12C60];
	s26 =	sshra.s32 s28, $0x2;
	s28 =	sadd.s32 $0x200, s28  }
0x7b: {  	v14 =	vld [tilespmem:s26+$0x12C00]  }
0x7c: {  	v15 =	vld [tilespmem:s26+$0x12C10]  }
0x7d: {  	v16 =	vld [tilespmem:s26+$0x12C20]  }
0x7e: {  	v17 =	vld [tilespmem:s26+$0x12C30]  }
0x7f: {  	v18 =	vld [tilespmem:s26+$0x12C40]  }
0x80: {  	v1 =	vadd.f32 v11, v1;
	v59 =	vld [tilespmem:s26+$0x12C50];
	v5 =	vadd.f32 v14, v5  }
0x81: {  	v13 =	vld [tilespmem:s26+$0x12C70];
	v6 =	vadd.f32 v10, v6;
	v3 =	vadd.f32 v15, v3  }
0x82: {  	v60 =	vld [tilespmem:s26+$0x12C60];
	v7 =	vadd.f32 v7, v8;
	v1 =	vadd.f32 v16, v1;
	[tilespmem:s24+$0x19100] =	vst v5  }
0x83: {  	v4 =	vadd.f32 v9, v4;
	v61 =	vadd.f32 v17, v6;
	[tilespmem:s24+$0x19110] =	vst v3  }
0x84: {  	p0 =	seq.s32 s23, $0x29;
	v62 =	vadd.f32 v18, v7;
	[tilespmem:s24+$0x19120] =	vst v1  }
.Ltmp3:
0x85: {  	v2 =	vadd.f32 v12, v2;
	v63 =	vadd.f32 v59, v4;
	[tilespmem:s24+$0x19130] =	vst v61;
	(pc) =	sbr.rel @p0 .LBB2_10-.Ltmp3, $4  }
0x86: {  	v0 =	vadd.f32 v13, v0;
	[tilespmem:s24+$0x19140] =	vst v62  }
0x87: {  	v2 =	vadd.f32 v60, v2;
	[tilespmem:s24+$0x19150] =	vst v63  }
0x88: {  	[tilespmem:s24+$0x19170] =	vst v0  }
0x89: {  	[tilespmem:s24+$0x19160] =	vst v2  }
.Ltmp4:
0x8a: {  	(pc) =	sbr.rel .LBB2_2-.Ltmp4, $4  }
0x8b: {  	s24 =	sadd.s32 $0x3E8, s25  }
0x8c: {  	[tilespmem:s17], [sflag:$0x1] =	stream.indirect.gather [hbm4b:s2+s8], $0x80, s24, s8, $0xb8;
	[tilespmem:$0x1D000] =	vst v63  }
0x8d: {  	s31 =	sadd.s32 $0x450, s25;
	s23 =	sadd.s32 $0x1, s23  }
0x8e: {  	[tilespmem:s19], [sflag:$0x1] =	stream.indirect.gather [hbm4b:s2+s10], $0x80, s31, s10, $0xb8;
	[tilespmem:$0x1D000] =	vst v63  }
.LBB2_10:
0x8f: {  	_ =	swait.ge [sflag:s20], $0x6400  }
0x90: {  	[sflag:s20] =	ssyncset.done $0x0  }
0x91: {  	s25 =	simm.s32 $0x0;
	[sflag:s20] =	ssyncadd.s32 $0xFFFF9C00  }
0x92: {  	v0 =	vld [tilespmem:s25+$0x6470]  }
0x93: {  	v2 =	vld [tilespmem:s25+$0x6400]  }
0x94: {  	v3 =	vld [tilespmem:s25+$0x6410]  }
0x95: {  	v11 =	vld [tilespmem:s25+$0x6420]  }
0x96: {  	v10 =	vld [tilespmem:s25+$0x6430]  }
0x97: {  	v1 =	vimm.f32 $0.0e+00;
	v6 =	vimm.f32 $0.0e+00;
	v7 =	vld [tilespmem:s25+$0x6440]  }
0x98: {  	v8 =	vimm.f32 $0.0e+00;
	v4 =	vimm.f32 $0.0e+00;
	v9 =	vld [tilespmem:s25+$0x6450];
	v0 =	vadd.f32 v0, v1  }
0x99: {  	s23 =	simm.s32 $0x80;
	s24 =	simm.s32 $0x400;
	v12 =	vld [tilespmem:s25+$0x6460];
	v5 =	vadd.f32 v2, v1;
	v3 =	vadd.f32 v3, v1;
	v2 =	vimm.f32 $0.0e+00  }
.LBB2_11:
0x9a: {  	p0 =	sne.s32 s24, $0x18E00;
	v13 =	vld [tilespmem:s23+$0x6470];
	v1 =	vadd.f32 v11, v1  }
0x9b: {  	v14 =	vld [tilespmem:s23+$0x6400];
	v6 =	vadd.f32 v10, v6  }
0x9c: {  	v15 =	vld [tilespmem:s23+$0x6410];
	v8 =	vadd.f32 v7, v8  }
.Ltmp5:
0x9d: {  	v11 =	vld [tilespmem:s23+$0x6420];
	v4 =	vadd.f32 v9, v4;
	(pc) =	sbr.rel @p0 .LBB2_11-.Ltmp5, $4  }
0x9e: {  	v10 =	vld [tilespmem:s23+$0x6430];
	v2 =	vadd.f32 v12, v2  }
0x9f: {  	v7 =	vld [tilespmem:s23+$0x6440];
	v0 =	vadd.f32 v13, v0  }
0xa0: {  	v5 =	vadd.f32 v14, v5;
	v9 =	vld [tilespmem:s23+$0x6450]  }
0xa1: {  	v3 =	vadd.f32 v15, v3;
	v12 =	vld [tilespmem:s23+$0x6460];
	s23 =	sshra.s32 s24, $0x2;
	s24 =	sadd.s32 $0x200, s24  }
0xa2: {  	v14 =	vld [tilespmem:s23+$0x6400]  }
0xa3: {  	v15 =	vld [tilespmem:s23+$0x6410]  }
0xa4: {  	v16 =	vld [tilespmem:s23+$0x6420]  }
0xa5: {  	v13 =	vld [tilespmem:s23+$0x6470]  }
0xa6: {  	v6 =	vadd.f32 v10, v6;
	v10 =	vld [tilespmem:s23+$0x6460]  }
0xa7: {  	v17 =	vld [tilespmem:s23+$0x6430];
	v1 =	vadd.f32 v11, v1;
	v5 =	vadd.f32 v14, v5  }
0xa8: {  	v18 =	vld [tilespmem:s23+$0x6440];
	v3 =	vadd.f32 v15, v3  }
0xa9: {  	v11 =	vld [tilespmem:s23+$0x6450];
	v2 =	vadd.f32 v12, v2;
	v1 =	vadd.f32 v16, v1;
	[tilespmem:$0x1CF00] =	vst v5  }
0xaa: {  	v0 =	vadd.f32 v13, v0;
	[tilespmem:$0x1CF10] =	vst v3  }
0xab: {  	v7 =	vadd.f32 v7, v8;
	v2 =	vadd.f32 v10, v2;
	[tilespmem:$0x1CF20] =	vst v1  }
0xac: {  	v4 =	vadd.f32 v9, v4;
	v5 =	vadd.f32 v17, v6;
	[tilespmem:$0x1CF70] =	vst v0  }
0xad: {  	v3 =	vadd.f32 v18, v7;
	[tilespmem:$0x1CF60] =	vst v2  }
0xae: {  	v1 =	vadd.f32 v11, v4;
	[tilespmem:$0x1CF30] =	vst v5  }
0xaf: {  	[tilespmem:$0x1CF40] =	vst v3  }
0xb0: {  	[tilespmem:$0x1CF50] =	vst v1  }
0xb1: {  	_ =	swait.ge [sflag:s20], $0x6400  }
0xb2: {  	[sflag:s20] =	ssyncset.done $0x0  }
0xb3: {  	s25 =	simm.s32 $0x0;
	[sflag:s20] =	ssyncadd.s32 $0xFFFF9C00  }
0xb4: {  	v0 =	vld [tilespmem:s25+$0xC870]  }
0xb5: {  	v2 =	vld [tilespmem:s25+$0xC800]  }
0xb6: {  	v3 =	vld [tilespmem:s25+$0xC810]  }
0xb7: {  	v11 =	vld [tilespmem:s25+$0xC820]  }
0xb8: {  	v10 =	vld [tilespmem:s25+$0xC830]  }
0xb9: {  	v8 =	vimm.f32 $0.0e+00;
	v1 =	vimm.f32 $0.0e+00;
	v7 =	vld [tilespmem:s25+$0xC840]  }
0xba: {  	v6 =	vimm.f32 $0.0e+00;
	v4 =	vimm.f32 $0.0e+00;
	v9 =	vld [tilespmem:s25+$0xC850];
	v0 =	vadd.f32 v0, v1  }
0xbb: {  	s24 =	simm.s32 $0x400;
	s23 =	simm.s32 $0x80;
	v12 =	vld [tilespmem:s25+$0xC860];
	v5 =	vadd.f32 v2, v1;
	v3 =	vadd.f32 v3, v1;
	v2 =	vimm.f32 $0.0e+00  }
.LBB2_13:
0xbc: {  	p0 =	sne.s32 s24, $0x18E00;
	v13 =	vld [tilespmem:s23+$0xC870];
	v1 =	vadd.f32 v11, v1  }
0xbd: {  	v14 =	vld [tilespmem:s23+$0xC800];
	v6 =	vadd.f32 v10, v6  }
0xbe: {  	v15 =	vld [tilespmem:s23+$0xC810];
	v8 =	vadd.f32 v7, v8  }
.Ltmp6:
0xbf: {  	v11 =	vld [tilespmem:s23+$0xC820];
	v4 =	vadd.f32 v9, v4;
	(pc) =	sbr.rel @p0 .LBB2_13-.Ltmp6, $4  }
0xc0: {  	v10 =	vld [tilespmem:s23+$0xC830];
	v2 =	vadd.f32 v12, v2  }
0xc1: {  	v7 =	vld [tilespmem:s23+$0xC840];
	v0 =	vadd.f32 v13, v0  }
0xc2: {  	v5 =	vadd.f32 v14, v5;
	v9 =	vld [tilespmem:s23+$0xC850]  }
0xc3: {  	v3 =	vadd.f32 v15, v3;
	v12 =	vld [tilespmem:s23+$0xC860];
	s23 =	sshra.s32 s24, $0x2;
	s24 =	sadd.s32 $0x200, s24  }
0xc4: {  	v14 =	vld [tilespmem:s23+$0xC800]  }
0xc5: {  	v15 =	vld [tilespmem:s23+$0xC810]  }
0xc6: {  	v16 =	vld [tilespmem:s23+$0xC820]  }
0xc7: {  	v17 =	vld [tilespmem:s23+$0xC830]  }
0xc8: {  	v18 =	vld [tilespmem:s23+$0xC840]  }
0xc9: {  	v1 =	vadd.f32 v11, v1;
	v59 =	vld [tilespmem:s23+$0xC850];
	v5 =	vadd.f32 v14, v5  }
0xca: {  	v13 =	vld [tilespmem:s23+$0xC870];
	v6 =	vadd.f32 v10, v6;
	v3 =	vadd.f32 v15, v3  }
0xcb: {  	v60 =	vld [tilespmem:s23+$0xC860];
	v7 =	vadd.f32 v7, v8;
	v1 =	vadd.f32 v16, v1;
	[tilespmem:$0x1CF80] =	vst v5  }
0xcc: {  	v4 =	vadd.f32 v9, v4;
	v61 =	vadd.f32 v17, v6;
	[tilespmem:$0x1CF90] =	vst v3  }
0xcd: {  	v62 =	vadd.f32 v18, v7;
	[tilespmem:$0x1CFA0] =	vst v1  }
0xce: {  	v2 =	vadd.f32 v12, v2;
	v63 =	vadd.f32 v59, v4;
	[tilespmem:$0x1CFB0] =	vst v61  }
0xcf: {  	v0 =	vadd.f32 v13, v0;
	[tilespmem:$0x1CFC0] =	vst v62  }
0xd0: {  	s22 =	sadd.s32 $0x1, s22;
	v2 =	vadd.f32 v60, v2;
	[tilespmem:$0x1CFD0] =	vst v63  }
0xd1: {  	p0 =	sne.s32 s22, s6;
	[tilespmem:$0x1CFF0] =	vst v0  }
.Ltmp7:
0xd2: {  	[tilespmem:$0x1CFE0] =	vst v2;
	(pc) =	sbr.rel @p0 .LBB2_1-.Ltmp7, $4  }
0xd3: {  	[hbm4b:s5+s3] =	stream.linear.scatter [tilespmem:s21], [sflag:$0x2], $0x4000, $0x38;
	[tilespmem:$0x1D000] =	vst v63  }
0xd4: {  	_ =	swait.ge [sflag:s7], $0x4000  }
0xd5: {  	[sflag:s7] =	ssyncset.done $0x0  }
0xd6: {  	[sflag:s7] =	ssyncadd.s32 $0xFFFFC000  }
0xd7: {  	_ =	sfence.sel $0x180000  }
0xd8: {  	[bflag:$0x0] =	sbarrier.arrive $0xFFFF  }
0xd9: {  	p0 =	sne.s32 s0, $0x0;
	_ =	strace $0x90000047  }
0xda: {  	s0 =	sadd.s32 @!p0 $0x100000, s1;
	[bflag:$0x2] =	sbarrier.arrive $0xFFFF  }
0xdb: {  	[sflag:s0] =	ssyncadd.tile.s32 @!p0 $0x1;
	_ =	shalt  }
.Lfunc_end2:
_tile_overlayer_lowered:
.L_overlay_start_2:
0xdc: {  	(tag) =	ssettag $0x2  }
0xdd: {  	s0 =	rddreg [dreg:$0x0];
	s2 =	stileid.u32  }
0xde: {  	s1 =	rddreg [dreg:$0x1];
	p0 =	sne.s32 s2, $0x0  }
0xdf: {  	s3 =	rddreg [dreg:$0x2];
	[bflag:$0x3] =	sbarrier.arrive $0xFFFF;
	s2 =	simm.s32 @!p0 $0x1C02  }
0xe0: {  	[timem:s3], [sflag:s2] =	dma.local @!p0 [hbm:s0], s1  }
0xe1: {  	s0 =	simm.s32 @!p0 $0x2  }
0xe2: {  	_ =	swait.ge @!p0 [sflag:s0], s1  }
0xe3: {  	s1 =	ssub.s32 @!p0 $0x0, s1;
	[sflag:s0] =	ssyncset.done @!p0 $0x0  }
0xe4: {  	[sflag:s0] =	ssyncadd.s32 @!p0 s1  }
0xe5: {  	[bflag:$0x3] =	sbarrier.arrive $0xFFFF  }
0xe6: {  	_ =	shalt  }

</sc_bundles>
